<compile_context>
chip_gen: v7x
topology: tpu7x:2x2x1
jax: 0.10.2.dev20260603
libtpu: 0.0.44.dev20260713+nightly
codegen_flags: <defaults>
</compile_context>

<pallas_src>
import functools

import jax
import jax.numpy as jnp
from jax import lax
from jax.experimental import pallas as pl
from jax.experimental.pallas import tpu as pltpu
from jax.experimental.pallas import tpu_sc as plsc

N_HEADS = 16
N_BUCKETS = 32
MAX_DIST = 128
Q_LEN = 2048
K_LEN = 2048

NSHIFT = 8
NVER = 16
TBL = 4096
TBLV = TBL - MAX_DIST
LAG = 8


def _table_body(emb_ref, log16_ref, doff_ref, out_ref):
    h = pl.program_id(0)
    r = lax.broadcasted_iota(jnp.int32, (NSHIFT, TBL), 0)
    c = lax.broadcasted_iota(jnp.int32, (NSHIFT, TBL), 1)
    relative_position = ((NSHIFT - 1 - r) + c) - (Q_LEN - 1) + doff_ref[0, 0]
    n = -relative_position
    half = N_BUCKETS // 2
    big = jnp.where(n < 0, half, 0)
    n = jnp.abs(n)
    max_exact = half // 2
    nf = n.astype(jnp.float32)
    val_large = max_exact + (
        jnp.log(nf / max_exact) / log16_ref[0, 0] * (half - max_exact)
    ).astype(jnp.int32)
    val_large = jnp.minimum(val_large, half - 1)
    bucket = big + jnp.where(n < max_exact, n, val_large)
    acc = jnp.zeros((NSHIFT, TBL), jnp.float32)
    for b in range(N_BUCKETS):
        acc = acc + jnp.where(bucket == b, emb_ref[h, b], 0.0)
    for k in range(NVER):
        out_ref[0, k] = lax.slice(acc, (0, 8 * k), (NSHIFT, 8 * k + TBLV))


def _make_table(rel_embedding, log16, d_off):
    return pl.pallas_call(
        _table_body,
        out_shape=jax.ShapeDtypeStruct((N_HEADS, NVER, NSHIFT, TBLV), jnp.float32),
        grid=(N_HEADS,),
        in_specs=[
            pl.BlockSpec(memory_space=pltpu.SMEM),
            pl.BlockSpec(memory_space=pltpu.SMEM),
            pl.BlockSpec(memory_space=pltpu.SMEM),
        ],
        out_specs=pl.BlockSpec(
            (1, NVER, NSHIFT, TBLV), lambda h: (h, 0, 0, 0)
        ),
    )(rel_embedding, log16, d_off)


def _expand_body(tbl_hbm, out_hbm, spmem, sem, stage_sem):
    core = lax.axis_index("c")
    tile = lax.axis_index("s")
    nhpc = N_HEADS // 2

    @pl.when(tile == 0)
    def _():
        pltpu.sync_copy(tbl_hbm.at[core * nhpc], spmem.at[0])
    plsc.subcore_barrier()

    def do_head(idx, carry):
        h = core * nhpc + idx
        buf = idx & 1

        @pl.when((tile == 0) & (idx < nhpc - 1))
        def _():
            pltpu.make_async_copy(
                tbl_hbm.at[h + 1], spmem.at[1 - buf], stage_sem
            ).start()

        def blk(m, c2):
            row0 = 128 * tile + NSHIFT * m
            row0 = pl.multiple_of(row0, NSHIFT)
            c0 = (Q_LEN - NSHIFT) - row0
            kp = (c0 >> 3) & (NVER - 1)
            col0 = (c0 >> 7) * 128
            col0 = pl.multiple_of(col0, 128)
            pltpu.make_async_copy(
                spmem.at[buf, kp, :, pl.ds(col0, K_LEN)],
                out_hbm.at[h, pl.ds(row0, NSHIFT), :],
                sem,
            ).start()

            @pl.when(m >= LAG)
            def _():
                pltpu.make_async_copy(
                    spmem.at[0, 0, :, pl.ds(0, K_LEN)],
                    out_hbm.at[h, pl.ds(0, NSHIFT), :],
                    sem,
                ).wait()

            return c2

        lax.fori_loop(0, 128 // NSHIFT, blk, 0)
        for _ in range(LAG):
            pltpu.make_async_copy(
                spmem.at[0, 0, :, pl.ds(0, K_LEN)],
                out_hbm.at[h, pl.ds(0, NSHIFT), :],
                sem,
            ).wait()

        @pl.when((tile == 0) & (idx < nhpc - 1))
        def _():
            pltpu.make_async_copy(
                tbl_hbm.at[h + 1], spmem.at[1 - buf], stage_sem
            ).wait()

        plsc.subcore_barrier()
        return carry

    lax.fori_loop(0, nhpc, do_head, 0)


@functools.cache
def _make_expand():
    return pl.kernel(
        _expand_body,
        out_type=jax.ShapeDtypeStruct((N_HEADS, Q_LEN, K_LEN), jnp.float32),
        mesh=plsc.VectorSubcoreMesh(core_axis_name="c", subcore_axis_name="s"),
        scratch_types=[
            pltpu.VMEM_SHARED((2, NVER, NSHIFT, TBLV), jnp.float32),
            pltpu.SemaphoreType.DMA,
            pltpu.SemaphoreType.DMA,
        ],
    )


def kernel(query_length, key_length, rel_embedding):
    d_off = jnp.asarray(
        (key_length - K_LEN) - (query_length - Q_LEN), jnp.int32
    ).reshape(1, 1)
    log16 = jnp.log(jnp.full((1, 1), MAX_DIST / (N_BUCKETS // 4), jnp.float32))
    tbl = _make_table(rel_embedding, log16, d_off)
    return _make_expand()(tbl)

# --- scband reference (transcript-rebuilt; emitter-appended) ---
"""Pipeline reference for scband-relative-position-bias-90632399880895 (READ-ONLY COPY).

The authoritative reference and input builder live on the scoring server;
editing this copy changes nothing except your own understanding.
"""

import jax, jax.numpy as jnp
import numpy as np

NUM_BUCKETS = 32
MAX_DISTANCE = 128
N_HEADS = 16
QUERY_LENGTH = 2048
KEY_LENGTH = 2048


def _relative_position_bucket(relative_position, bidirectional=True, num_buckets=32, max_distance=128):
    ret = 0
    n = -relative_position
    if bidirectional:
        num_buckets //= 2
        ret += (n < 0).astype(jnp.int32) * num_buckets
        n = jnp.abs(n)
    else:
        n = jnp.maximum(n, 0)
    max_exact = num_buckets // 2
    is_small = n < max_exact
    val_if_large = max_exact + (
        jnp.log(n.astype(jnp.float32) / max_exact)
        / jnp.log(max_distance / max_exact)
        * (num_buckets - max_exact)
    ).astype(jnp.int32)
    val_if_large = jnp.minimum(val_if_large, num_buckets - 1)
    ret += jnp.where(is_small, n, val_if_large)
    return ret


def setup_inputs(seed: int = 0) -> dict:
    key = jax.random.key(seed)
    rel_embedding = jax.random.normal(key, (N_HEADS, NUM_BUCKETS), dtype=jnp.float32) * 0.02
    return {
        "query_length": 2048,
        "key_length": 2048,
        "rel_embedding": rel_embedding,
    }


def reference(query_length, key_length, rel_embedding):
    context_position = (jnp.arange(QUERY_LENGTH) + (query_length - QUERY_LENGTH))[:, None]
    memory_position = (jnp.arange(KEY_LENGTH) + (key_length - KEY_LENGTH))[None, :]
    relative_position = memory_position - context_position
    relative_position_bucket = _relative_position_bucket(
        relative_position, bidirectional=True,
        num_buckets=NUM_BUCKETS, max_distance=MAX_DISTANCE,
    )
    relative_position_bucket = jax.lax.stop_gradient(relative_position_bucket)
    # embedding gather: values[:, bucket] -> [n_heads, q_len, k_len]
    return rel_embedding[:, relative_position_bucket]

if __name__ == "__main__":
    import jax
    _d = setup_inputs()
    print(jax.jit(kernel)(*tuple(_d.values())))

</pallas_src>

<mosaic_0001>
#map = affine_map<(d0, d1) -> (0, 0, 0, 0)>
#map1 = affine_map<(d0, d1) -> (0, 0, 0)>
module attributes {stable_mosaic.version = 14 : i64} {
  func.func @_expand_body(%arg0: i32, %arg1: i32, %arg2: memref<16x16x8x3968xf32, #tpu.memory_space<hbm>>, %arg3: memref<16x2048x2048xf32, #tpu.memory_space<hbm>>, %arg4: memref<2x16x8x3968xf32, #tpu.memory_space<vmem_shared>>, %arg5: memref<!tpu.dma_semaphore, #tpu.memory_space<semaphore_mem>>, %arg6: memref<!tpu.dma_semaphore, #tpu.memory_space<semaphore_mem>>) attributes {dimension_semantics = [#tpu.dimension_semantics<core_parallel>, #tpu.dimension_semantics<subcore_parallel>], iteration_bounds = array<i64: 2, 16>, scalar_prefetch = 0 : i64, scratch_operands = 3 : i64, tpu.core_type = #tpu.core_type<sc_vector_subcore>, window_params = [{transform_indices = #map}, {transform_indices = #map1}]} {
    %eq3A = arith.constant 0 : i32
    %eq3A_0 = arith.cmpi eq, %arg1, %eq3A : i32
    %convert_element_type3A = arith.extui %eq3A_0 : i1 to i32
    %cond3A = arith.constant 0 : i32
    %cond3A_1 = arith.cmpi ne, %convert_element_type3A, %cond3A : i32
    scf.if %cond3A_1 {
      %mul3A = arith.constant 8 : i32
      %mul3A_7 = arith.muli %arg0, %mul3A : i32
      %run_scoped3A = arith.constant 0 : i32
      "tpu.region"() ({
        %run_scoped3A_8 = tpu.sem_alloc : memref<!tpu.dma_semaphore, #tpu.memory_space<semaphore_mem>>
        %dma_start3A = arith.constant 0 : i32
        %dma_start3A_9 = arith.constant 0 : i32
        %dma_start3A_10 = arith.constant 0 : i32
        %dma_start3A_11 = tpu.memref_slice %arg4[%run_scoped3A, %dma_start3A, %dma_start3A_9, %dma_start3A_10] : memref<2x16x8x3968xf32, #tpu.memory_space<vmem_shared>> -> memref<1x16x8x3968xf32, #tpu.memory_space<vmem_shared>>
        %dma_start3A_12 = tpu.memref_squeeze %dma_start3A_11 : memref<1x16x8x3968xf32, #tpu.memory_space<vmem_shared>> -> memref<16x8x3968xf32, #tpu.memory_space<vmem_shared>>
        %dma_start3A_13 = arith.constant 0 : i32
        %dma_start3A_14 = arith.constant 0 : i32
        %dma_start3A_15 = arith.constant 0 : i32
        %dma_start3A_16 = tpu.memref_slice %arg2[%mul3A_7, %dma_start3A_13, %dma_start3A_14, %dma_start3A_15] : memref<16x16x8x3968xf32, #tpu.memory_space<hbm>> -> memref<1x16x8x3968xf32, #tpu.memory_space<hbm>>
        %dma_start3A_17 = tpu.memref_squeeze %dma_start3A_16 : memref<1x16x8x3968xf32, #tpu.memory_space<hbm>> -> memref<16x8x3968xf32, #tpu.memory_space<hbm>>
        tpu.enqueue_dma source(%dma_start3A_17 : memref<16x8x3968xf32, #tpu.memory_space<hbm>>) target(%dma_start3A_12 : memref<16x8x3968xf32, #tpu.memory_space<vmem_shared>>) target_semaphore(%run_scoped3A_8 : memref<!tpu.dma_semaphore, #tpu.memory_space<semaphore_mem>>)
        %dma_wait3A = arith.constant 0 : i32
        %dma_wait3A_18 = arith.constant 0 : i32
        %dma_wait3A_19 = arith.constant 0 : i32
        %dma_wait3A_20 = tpu.memref_slice %arg4[%run_scoped3A, %dma_wait3A, %dma_wait3A_18, %dma_wait3A_19] : memref<2x16x8x3968xf32, #tpu.memory_space<vmem_shared>> -> memref<1x16x8x3968xf32, #tpu.memory_space<vmem_shared>>
        %dma_wait3A_21 = tpu.memref_squeeze %dma_wait3A_20 : memref<1x16x8x3968xf32, #tpu.memory_space<vmem_shared>> -> memref<16x8x3968xf32, #tpu.memory_space<vmem_shared>>
        %dma_wait3A_22 = arith.constant 0 : i32
        %dma_wait3A_23 = arith.constant 0 : i32
        %dma_wait3A_24 = arith.constant 0 : i32
        %dma_wait3A_25 = tpu.memref_slice %arg2[%mul3A_7, %dma_wait3A_22, %dma_wait3A_23, %dma_wait3A_24] : memref<16x16x8x3968xf32, #tpu.memory_space<hbm>> -> memref<1x16x8x3968xf32, #tpu.memory_space<hbm>>
        %dma_wait3A_26 = tpu.memref_squeeze %dma_wait3A_25 : memref<1x16x8x3968xf32, #tpu.memory_space<hbm>> -> memref<16x8x3968xf32, #tpu.memory_space<hbm>>
        tpu.wait_dma2 semaphore(%run_scoped3A_8 : memref<!tpu.dma_semaphore, #tpu.memory_space<semaphore_mem>>) src(%dma_wait3A_26 : memref<16x8x3968xf32, #tpu.memory_space<hbm>>) dst(%dma_wait3A_21 : memref<16x8x3968xf32, #tpu.memory_space<vmem_shared>>)
        tpu.yield
      }) : () -> ()
    } else {
    }
    %barrier3A = arith.constant 0 : index
    tpu.barrier barrier_id(%barrier3A)
    %scan3A = arith.constant 0 : i32
    %scan3A_2 = arith.constant 0 : i32
    %scan3A_3 = arith.constant 8 : i32
    %scan3A_4 = arith.addi %scan3A_2, %scan3A_3 : i32
    %scan3A_5 = arith.constant 1 : i32
    scf.for %scan3A_7 = %scan3A_2 to %scan3A_4 step %scan3A_5  : i32 {
      %mul3A = arith.constant 8 : i32
      %mul3A_8 = arith.muli %arg0, %mul3A : i32
      %add3A = arith.addi %mul3A_8, %scan3A_7 : i32
      %and3A = arith.constant 1 : i32
      %and3A_9 = arith.andi %scan3A_7, %and3A : i32
      %eq3A_10 = arith.constant 0 : i32
      %eq3A_11 = arith.cmpi eq, %arg1, %eq3A_10 : i32
      %lt3A = arith.constant 7 : i32
      %lt3A_12 = arith.cmpi slt, %scan3A_7, %lt3A : i32
      %and3A_13 = arith.andi %eq3A_11, %lt3A_12 : i1
      %convert_element_type3A_14 = arith.extui %and3A_13 : i1 to i32
      %cond3A_15 = arith.constant 0 : i32
      %cond3A_16 = arith.cmpi ne, %convert_element_type3A_14, %cond3A_15 : i32
      scf.if %cond3A_16 {
        %add3A_111 = arith.constant 1 : i32
        %add3A_112 = arith.addi %add3A, %add3A_111 : i32
        %sub3A = arith.constant 1 : i32
        %sub3A_113 = arith.subi %sub3A, %and3A_9 : i32
        %dma_start3A = arith.constant 0 : i32
        %dma_start3A_114 = arith.constant 0 : i32
        %dma_start3A_115 = arith.constant 0 : i32
        %dma_start3A_116 = tpu.memref_slice %arg4[%sub3A_113, %dma_start3A, %dma_start3A_114, %dma_start3A_115] : memref<2x16x8x3968xf32, #tpu.memory_space<vmem_shared>> -> memref<1x16x8x3968xf32, #tpu.memory_space<vmem_shared>>
        %dma_start3A_117 = tpu.memref_squeeze %dma_start3A_116 : memref<1x16x8x3968xf32, #tpu.memory_space<vmem_shared>> -> memref<16x8x3968xf32, #tpu.memory_space<vmem_shared>>
        %dma_start3A_118 = arith.constant 0 : i32
        %dma_start3A_119 = arith.constant 0 : i32
        %dma_start3A_120 = arith.constant 0 : i32
        %dma_start3A_121 = tpu.memref_slice %arg2[%add3A_112, %dma_start3A_118, %dma_start3A_119, %dma_start3A_120] : memref<16x16x8x3968xf32, #tpu.memory_space<hbm>> -> memref<1x16x8x3968xf32, #tpu.memory_space<hbm>>
        %dma_start3A_122 = tpu.memref_squeeze %dma_start3A_121 : memref<1x16x8x3968xf32, #tpu.memory_space<hbm>> -> memref<16x8x3968xf32, #tpu.memory_space<hbm>>
        tpu.enqueue_dma source(%dma_start3A_122 : memref<16x8x3968xf32, #tpu.memory_space<hbm>>) target(%dma_start3A_117 : memref<16x8x3968xf32, #tpu.memory_space<vmem_shared>>) target_semaphore(%arg6 : memref<!tpu.dma_semaphore, #tpu.memory_space<semaphore_mem>>)
      } else {
      }
      %scan3A_17 = arith.constant 0 : i32
      %scan3A_18 = arith.constant 0 : i32
      %scan3A_19 = arith.constant 16 : i32
      %scan3A_20 = arith.addi %scan3A_18, %scan3A_19 : i32
      %scan3A_21 = arith.constant 1 : i32
      scf.for %scan3A_111 = %scan3A_18 to %scan3A_20 step %scan3A_21  : i32 {
        %mul3A_112 = arith.constant 128 : i32
        %mul3A_113 = arith.muli %mul3A_112, %arg1 : i32
        %mul3A_114 = arith.constant 8 : i32
        %mul3A_115 = arith.muli %mul3A_114, %scan3A_111 : i32
        %add3A_116 = arith.addi %mul3A_113, %mul3A_115 : i32
        %multiple_of3A = tpu.assume_multiple %add3A_116, 8 : i32
        %sub3A = arith.constant 2040 : i32
        %sub3A_117 = arith.subi %sub3A, %multiple_of3A : i32
        %shift_right_arithmetic3A = arith.constant 3 : i32
        %shift_right_arithmetic3A_118 = arith.shrsi %sub3A_117, %shift_right_arithmetic3A : i32
        %and3A_119 = arith.constant 15 : i32
        %and3A_120 = arith.andi %shift_right_arithmetic3A_118, %and3A_119 : i32
        %shift_right_arithmetic3A_121 = arith.constant 7 : i32
        %shift_right_arithmetic3A_122 = arith.shrsi %sub3A_117, %shift_right_arithmetic3A_121 : i32
        %mul3A_123 = arith.constant 128 : i32
        %mul3A_124 = arith.muli %shift_right_arithmetic3A_122, %mul3A_123 : i32
        %multiple_of3A_125 = tpu.assume_multiple %mul3A_124, 128 : i32
        %dma_start3A = arith.constant 0 : i32
        %dma_start3A_126 = tpu.memref_slice %arg3[%add3A, %multiple_of3A, %dma_start3A] : memref<16x2048x2048xf32, #tpu.memory_space<hbm>> -> memref<1x8x2048xf32, #tpu.memory_space<hbm>>
        %dma_start3A_127 = tpu.memref_squeeze %dma_start3A_126 : memref<1x8x2048xf32, #tpu.memory_space<hbm>> -> memref<8x2048xf32, #tpu.memory_space<hbm>>
        %dma_start3A_128 = arith.constant 0 : i32
        %dma_start3A_129 = tpu.memref_slice %arg4[%and3A_9, %and3A_120, %dma_start3A_128, %multiple_of3A_125] : memref<2x16x8x3968xf32, #tpu.memory_space<vmem_shared>> -> memref<1x1x8x2048xf32, #tpu.memory_space<vmem_shared>>
        %dma_start3A_130 = tpu.memref_squeeze %dma_start3A_129 : memref<1x1x8x2048xf32, #tpu.memory_space<vmem_shared>> -> memref<8x2048xf32, #tpu.memory_space<vmem_shared>>
        tpu.enqueue_dma source(%dma_start3A_130 : memref<8x2048xf32, #tpu.memory_space<vmem_shared>>) target(%dma_start3A_127 : memref<8x2048xf32, #tpu.memory_space<hbm>>) target_semaphore(%arg5 : memref<!tpu.dma_semaphore, #tpu.memory_space<semaphore_mem>>)
        %ge3A = arith.constant 8 : i32
        %ge3A_131 = arith.cmpi sge, %scan3A_111, %ge3A : i32
        %convert_element_type3A_132 = arith.extui %ge3A_131 : i1 to i32
        %cond3A_133 = arith.constant 0 : i32
        %cond3A_134 = arith.cmpi ne, %convert_element_type3A_132, %cond3A_133 : i32
        scf.if %cond3A_134 {
          %dma_wait3A_135 = arith.constant 0 : i32
          %dma_wait3A_136 = arith.constant 0 : i32
          %dma_wait3A_137 = arith.constant 0 : i32
          %dma_wait3A_138 = arith.constant 0 : i32
          %dma_wait3A_139 = tpu.memref_slice %arg3[%add3A, %dma_wait3A_137, %dma_wait3A_138] : memref<16x2048x2048xf32, #tpu.memory_space<hbm>> -> memref<1x8x2048xf32, #tpu.memory_space<hbm>>
          %dma_wait3A_140 = tpu.memref_squeeze %dma_wait3A_139 : memref<1x8x2048xf32, #tpu.memory_space<hbm>> -> memref<8x2048xf32, #tpu.memory_space<hbm>>
          %dma_wait3A_141 = arith.constant 0 : i32
          %dma_wait3A_142 = arith.constant 0 : i32
          %dma_wait3A_143 = tpu.memref_slice %arg4[%dma_wait3A_135, %dma_wait3A_136, %dma_wait3A_141, %dma_wait3A_142] : memref<2x16x8x3968xf32, #tpu.memory_space<vmem_shared>> -> memref<1x1x8x2048xf32, #tpu.memory_space<vmem_shared>>
          %dma_wait3A_144 = tpu.memref_squeeze %dma_wait3A_143 : memref<1x1x8x2048xf32, #tpu.memory_space<vmem_shared>> -> memref<8x2048xf32, #tpu.memory_space<vmem_shared>>
          tpu.wait_dma2 semaphore(%arg5 : memref<!tpu.dma_semaphore, #tpu.memory_space<semaphore_mem>>) src(%dma_wait3A_144 : memref<8x2048xf32, #tpu.memory_space<vmem_shared>>) dst(%dma_wait3A_140 : memref<8x2048xf32, #tpu.memory_space<hbm>>)
        } else {
        }
      }
      %scan3A_22 = arith.constant 16 : i32
      %dma_wait3A = arith.constant 0 : i32
      %dma_wait3A_23 = arith.constant 0 : i32
      %dma_wait3A_24 = arith.constant 0 : i32
      %dma_wait3A_25 = arith.constant 0 : i32
      %dma_wait3A_26 = tpu.memref_slice %arg3[%add3A, %dma_wait3A_24, %dma_wait3A_25] : memref<16x2048x2048xf32, #tpu.memory_space<hbm>> -> memref<1x8x2048xf32, #tpu.memory_space<hbm>>
      %dma_wait3A_27 = tpu.memref_squeeze %dma_wait3A_26 : memref<1x8x2048xf32, #tpu.memory_space<hbm>> -> memref<8x2048xf32, #tpu.memory_space<hbm>>
      %dma_wait3A_28 = arith.constant 0 : i32
      %dma_wait3A_29 = arith.constant 0 : i32
      %dma_wait3A_30 = tpu.memref_slice %arg4[%dma_wait3A, %dma_wait3A_23, %dma_wait3A_28, %dma_wait3A_29] : memref<2x16x8x3968xf32, #tpu.memory_space<vmem_shared>> -> memref<1x1x8x2048xf32, #tpu.memory_space<vmem_shared>>
      %dma_wait3A_31 = tpu.memref_squeeze %dma_wait3A_30 : memref<1x1x8x2048xf32, #tpu.memory_space<vmem_shared>> -> memref<8x2048xf32, #tpu.memory_space<vmem_shared>>
      tpu.wait_dma2 semaphore(%arg5 : memref<!tpu.dma_semaphore, #tpu.memory_space<semaphore_mem>>) src(%dma_wait3A_31 : memref<8x2048xf32, #tpu.memory_space<vmem_shared>>) dst(%dma_wait3A_27 : memref<8x2048xf32, #tpu.memory_space<hbm>>)
      %dma_wait3A_32 = arith.constant 0 : i32
      %dma_wait3A_33 = arith.constant 0 : i32
      %dma_wait3A_34 = arith.constant 0 : i32
      %dma_wait3A_35 = arith.constant 0 : i32
      %dma_wait3A_36 = tpu.memref_slice %arg3[%add3A, %dma_wait3A_34, %dma_wait3A_35] : memref<16x2048x2048xf32, #tpu.memory_space<hbm>> -> memref<1x8x2048xf32, #tpu.memory_space<hbm>>
      %dma_wait3A_37 = tpu.memref_squeeze %dma_wait3A_36 : memref<1x8x2048xf32, #tpu.memory_space<hbm>> -> memref<8x2048xf32, #tpu.memory_space<hbm>>
      %dma_wait3A_38 = arith.constant 0 : i32
      %dma_wait3A_39 = arith.constant 0 : i32
      %dma_wait3A_40 = tpu.memref_slice %arg4[%dma_wait3A_32, %dma_wait3A_33, %dma_wait3A_38, %dma_wait3A_39] : memref<2x16x8x3968xf32, #tpu.memory_space<vmem_shared>> -> memref<1x1x8x2048xf32, #tpu.memory_space<vmem_shared>>
      %dma_wait3A_41 = tpu.memref_squeeze %dma_wait3A_40 : memref<1x1x8x2048xf32, #tpu.memory_space<vmem_shared>> -> memref<8x2048xf32, #tpu.memory_space<vmem_shared>>
      tpu.wait_dma2 semaphore(%arg5 : memref<!tpu.dma_semaphore, #tpu.memory_space<semaphore_mem>>) src(%dma_wait3A_41 : memref<8x2048xf32, #tpu.memory_space<vmem_shared>>) dst(%dma_wait3A_37 : memref<8x2048xf32, #tpu.memory_space<hbm>>)
      %dma_wait3A_42 = arith.constant 0 : i32
      %dma_wait3A_43 = arith.constant 0 : i32
      %dma_wait3A_44 = arith.constant 0 : i32
      %dma_wait3A_45 = arith.constant 0 : i32
      %dma_wait3A_46 = tpu.memref_slice %arg3[%add3A, %dma_wait3A_44, %dma_wait3A_45] : memref<16x2048x2048xf32, #tpu.memory_space<hbm>> -> memref<1x8x2048xf32, #tpu.memory_space<hbm>>
      %dma_wait3A_47 = tpu.memref_squeeze %dma_wait3A_46 : memref<1x8x2048xf32, #tpu.memory_space<hbm>> -> memref<8x2048xf32, #tpu.memory_space<hbm>>
      %dma_wait3A_48 = arith.constant 0 : i32
      %dma_wait3A_49 = arith.constant 0 : i32
      %dma_wait3A_50 = tpu.memref_slice %arg4[%dma_wait3A_42, %dma_wait3A_43, %dma_wait3A_48, %dma_wait3A_49] : memref<2x16x8x3968xf32, #tpu.memory_space<vmem_shared>> -> memref<1x1x8x2048xf32, #tpu.memory_space<vmem_shared>>
      %dma_wait3A_51 = tpu.memref_squeeze %dma_wait3A_50 : memref<1x1x8x2048xf32, #tpu.memory_space<vmem_shared>> -> memref<8x2048xf32, #tpu.memory_space<vmem_shared>>
      tpu.wait_dma2 semaphore(%arg5 : memref<!tpu.dma_semaphore, #tpu.memory_space<semaphore_mem>>) src(%dma_wait3A_51 : memref<8x2048xf32, #tpu.memory_space<vmem_shared>>) dst(%dma_wait3A_47 : memref<8x2048xf32, #tpu.memory_space<hbm>>)
      %dma_wait3A_52 = arith.constant 0 : i32
      %dma_wait3A_53 = arith.constant 0 : i32
      %dma_wait3A_54 = arith.constant 0 : i32
      %dma_wait3A_55 = arith.constant 0 : i32
      %dma_wait3A_56 = tpu.memref_slice %arg3[%add3A, %dma_wait3A_54, %dma_wait3A_55] : memref<16x2048x2048xf32, #tpu.memory_space<hbm>> -> memref<1x8x2048xf32, #tpu.memory_space<hbm>>
      %dma_wait3A_57 = tpu.memref_squeeze %dma_wait3A_56 : memref<1x8x2048xf32, #tpu.memory_space<hbm>> -> memref<8x2048xf32, #tpu.memory_space<hbm>>
      %dma_wait3A_58 = arith.constant 0 : i32
      %dma_wait3A_59 = arith.constant 0 : i32
      %dma_wait3A_60 = tpu.memref_slice %arg4[%dma_wait3A_52, %dma_wait3A_53, %dma_wait3A_58, %dma_wait3A_59] : memref<2x16x8x3968xf32, #tpu.memory_space<vmem_shared>> -> memref<1x1x8x2048xf32, #tpu.memory_space<vmem_shared>>
      %dma_wait3A_61 = tpu.memref_squeeze %dma_wait3A_60 : memref<1x1x8x2048xf32, #tpu.memory_space<vmem_shared>> -> memref<8x2048xf32, #tpu.memory_space<vmem_shared>>
      tpu.wait_dma2 semaphore(%arg5 : memref<!tpu.dma_semaphore, #tpu.memory_space<semaphore_mem>>) src(%dma_wait3A_61 : memref<8x2048xf32, #tpu.memory_space<vmem_shared>>) dst(%dma_wait3A_57 : memref<8x2048xf32, #tpu.memory_space<hbm>>)
      %dma_wait3A_62 = arith.constant 0 : i32
      %dma_wait3A_63 = arith.constant 0 : i32
      %dma_wait3A_64 = arith.constant 0 : i32
      %dma_wait3A_65 = arith.constant 0 : i32
      %dma_wait3A_66 = tpu.memref_slice %arg3[%add3A, %dma_wait3A_64, %dma_wait3A_65] : memref<16x2048x2048xf32, #tpu.memory_space<hbm>> -> memref<1x8x2048xf32, #tpu.memory_space<hbm>>
      %dma_wait3A_67 = tpu.memref_squeeze %dma_wait3A_66 : memref<1x8x2048xf32, #tpu.memory_space<hbm>> -> memref<8x2048xf32, #tpu.memory_space<hbm>>
      %dma_wait3A_68 = arith.constant 0 : i32
      %dma_wait3A_69 = arith.constant 0 : i32
      %dma_wait3A_70 = tpu.memref_slice %arg4[%dma_wait3A_62, %dma_wait3A_63, %dma_wait3A_68, %dma_wait3A_69] : memref<2x16x8x3968xf32, #tpu.memory_space<vmem_shared>> -> memref<1x1x8x2048xf32, #tpu.memory_space<vmem_shared>>
      %dma_wait3A_71 = tpu.memref_squeeze %dma_wait3A_70 : memref<1x1x8x2048xf32, #tpu.memory_space<vmem_shared>> -> memref<8x2048xf32, #tpu.memory_space<vmem_shared>>
      tpu.wait_dma2 semaphore(%arg5 : memref<!tpu.dma_semaphore, #tpu.memory_space<semaphore_mem>>) src(%dma_wait3A_71 : memref<8x2048xf32, #tpu.memory_space<vmem_shared>>) dst(%dma_wait3A_67 : memref<8x2048xf32, #tpu.memory_space<hbm>>)
      %dma_wait3A_72 = arith.constant 0 : i32
      %dma_wait3A_73 = arith.constant 0 : i32
      %dma_wait3A_74 = arith.constant 0 : i32
      %dma_wait3A_75 = arith.constant 0 : i32
      %dma_wait3A_76 = tpu.memref_slice %arg3[%add3A, %dma_wait3A_74, %dma_wait3A_75] : memref<16x2048x2048xf32, #tpu.memory_space<hbm>> -> memref<1x8x2048xf32, #tpu.memory_space<hbm>>
      %dma_wait3A_77 = tpu.memref_squeeze %dma_wait3A_76 : memref<1x8x2048xf32, #tpu.memory_space<hbm>> -> memref<8x2048xf32, #tpu.memory_space<hbm>>
      %dma_wait3A_78 = arith.constant 0 : i32
      %dma_wait3A_79 = arith.constant 0 : i32
      %dma_wait3A_80 = tpu.memref_slice %arg4[%dma_wait3A_72, %dma_wait3A_73, %dma_wait3A_78, %dma_wait3A_79] : memref<2x16x8x3968xf32, #tpu.memory_space<vmem_shared>> -> memref<1x1x8x2048xf32, #tpu.memory_space<vmem_shared>>
      %dma_wait3A_81 = tpu.memref_squeeze %dma_wait3A_80 : memref<1x1x8x2048xf32, #tpu.memory_space<vmem_shared>> -> memref<8x2048xf32, #tpu.memory_space<vmem_shared>>
      tpu.wait_dma2 semaphore(%arg5 : memref<!tpu.dma_semaphore, #tpu.memory_space<semaphore_mem>>) src(%dma_wait3A_81 : memref<8x2048xf32, #tpu.memory_space<vmem_shared>>) dst(%dma_wait3A_77 : memref<8x2048xf32, #tpu.memory_space<hbm>>)
      %dma_wait3A_82 = arith.constant 0 : i32
      %dma_wait3A_83 = arith.constant 0 : i32
      %dma_wait3A_84 = arith.constant 0 : i32
      %dma_wait3A_85 = arith.constant 0 : i32
      %dma_wait3A_86 = tpu.memref_slice %arg3[%add3A, %dma_wait3A_84, %dma_wait3A_85] : memref<16x2048x2048xf32, #tpu.memory_space<hbm>> -> memref<1x8x2048xf32, #tpu.memory_space<hbm>>
      %dma_wait3A_87 = tpu.memref_squeeze %dma_wait3A_86 : memref<1x8x2048xf32, #tpu.memory_space<hbm>> -> memref<8x2048xf32, #tpu.memory_space<hbm>>
      %dma_wait3A_88 = arith.constant 0 : i32
      %dma_wait3A_89 = arith.constant 0 : i32
      %dma_wait3A_90 = tpu.memref_slice %arg4[%dma_wait3A_82, %dma_wait3A_83, %dma_wait3A_88, %dma_wait3A_89] : memref<2x16x8x3968xf32, #tpu.memory_space<vmem_shared>> -> memref<1x1x8x2048xf32, #tpu.memory_space<vmem_shared>>
      %dma_wait3A_91 = tpu.memref_squeeze %dma_wait3A_90 : memref<1x1x8x2048xf32, #tpu.memory_space<vmem_shared>> -> memref<8x2048xf32, #tpu.memory_space<vmem_shared>>
      tpu.wait_dma2 semaphore(%arg5 : memref<!tpu.dma_semaphore, #tpu.memory_space<semaphore_mem>>) src(%dma_wait3A_91 : memref<8x2048xf32, #tpu.memory_space<vmem_shared>>) dst(%dma_wait3A_87 : memref<8x2048xf32, #tpu.memory_space<hbm>>)
      %dma_wait3A_92 = arith.constant 0 : i32
      %dma_wait3A_93 = arith.constant 0 : i32
      %dma_wait3A_94 = arith.constant 0 : i32
      %dma_wait3A_95 = arith.constant 0 : i32
      %dma_wait3A_96 = tpu.memref_slice %arg3[%add3A, %dma_wait3A_94, %dma_wait3A_95] : memref<16x2048x2048xf32, #tpu.memory_space<hbm>> -> memref<1x8x2048xf32, #tpu.memory_space<hbm>>
      %dma_wait3A_97 = tpu.memref_squeeze %dma_wait3A_96 : memref<1x8x2048xf32, #tpu.memory_space<hbm>> -> memref<8x2048xf32, #tpu.memory_space<hbm>>
      %dma_wait3A_98 = arith.constant 0 : i32
      %dma_wait3A_99 = arith.constant 0 : i32
      %dma_wait3A_100 = tpu.memref_slice %arg4[%dma_wait3A_92, %dma_wait3A_93, %dma_wait3A_98, %dma_wait3A_99] : memref<2x16x8x3968xf32, #tpu.memory_space<vmem_shared>> -> memref<1x1x8x2048xf32, #tpu.memory_space<vmem_shared>>
      %dma_wait3A_101 = tpu.memref_squeeze %dma_wait3A_100 : memref<1x1x8x2048xf32, #tpu.memory_space<vmem_shared>> -> memref<8x2048xf32, #tpu.memory_space<vmem_shared>>
      tpu.wait_dma2 semaphore(%arg5 : memref<!tpu.dma_semaphore, #tpu.memory_space<semaphore_mem>>) src(%dma_wait3A_101 : memref<8x2048xf32, #tpu.memory_space<vmem_shared>>) dst(%dma_wait3A_97 : memref<8x2048xf32, #tpu.memory_space<hbm>>)
      %eq3A_102 = arith.constant 0 : i32
      %eq3A_103 = arith.cmpi eq, %arg1, %eq3A_102 : i32
      %lt3A_104 = arith.constant 7 : i32
      %lt3A_105 = arith.cmpi slt, %scan3A_7, %lt3A_104 : i32
      %and3A_106 = arith.andi %eq3A_103, %lt3A_105 : i1
      %convert_element_type3A_107 = arith.extui %and3A_106 : i1 to i32
      %cond3A_108 = arith.constant 0 : i32
      %cond3A_109 = arith.cmpi ne, %convert_element_type3A_107, %cond3A_108 : i32
      scf.if %cond3A_109 {
        %add3A_111 = arith.constant 1 : i32
        %add3A_112 = arith.addi %add3A, %add3A_111 : i32
        %sub3A = arith.constant 1 : i32
        %sub3A_113 = arith.subi %sub3A, %and3A_9 : i32
        %dma_wait3A_114 = arith.constant 0 : i32
        %dma_wait3A_115 = arith.constant 0 : i32
        %dma_wait3A_116 = arith.constant 0 : i32
        %dma_wait3A_117 = tpu.memref_slice %arg4[%sub3A_113, %dma_wait3A_114, %dma_wait3A_115, %dma_wait3A_116] : memref<2x16x8x3968xf32, #tpu.memory_space<vmem_shared>> -> memref<1x16x8x3968xf32, #tpu.memory_space<vmem_shared>>
        %dma_wait3A_118 = tpu.memref_squeeze %dma_wait3A_117 : memref<1x16x8x3968xf32, #tpu.memory_space<vmem_shared>> -> memref<16x8x3968xf32, #tpu.memory_space<vmem_shared>>
        %dma_wait3A_119 = arith.constant 0 : i32
        %dma_wait3A_120 = arith.constant 0 : i32
        %dma_wait3A_121 = arith.constant 0 : i32
        %dma_wait3A_122 = tpu.memref_slice %arg2[%add3A_112, %dma_wait3A_119, %dma_wait3A_120, %dma_wait3A_121] : memref<16x16x8x3968xf32, #tpu.memory_space<hbm>> -> memref<1x16x8x3968xf32, #tpu.memory_space<hbm>>
        %dma_wait3A_123 = tpu.memref_squeeze %dma_wait3A_122 : memref<1x16x8x3968xf32, #tpu.memory_space<hbm>> -> memref<16x8x3968xf32, #tpu.memory_space<hbm>>
        tpu.wait_dma2 semaphore(%arg6 : memref<!tpu.dma_semaphore, #tpu.memory_space<semaphore_mem>>) src(%dma_wait3A_123 : memref<16x8x3968xf32, #tpu.memory_space<hbm>>) dst(%dma_wait3A_118 : memref<16x8x3968xf32, #tpu.memory_space<vmem_shared>>)
      } else {
      }
      %barrier3A_110 = arith.constant 0 : index
      tpu.barrier barrier_id(%barrier3A_110)
    }
    %scan3A_6 = arith.constant 8 : i32
    return
  }
}

module attributes {stable_mosaic.version = 14 : i64} {
  func.func @_table_body(%arg0: i32, %arg1: memref<16x32xf32, #tpu.memory_space<smem>>, %arg2: memref<1x1xf32, #tpu.memory_space<smem>>, %arg3: memref<1x1xi32, #tpu.memory_space<smem>>, %arg4: memref<1x16x8x3968xf32, #tpu.memory_space<vmem>>) attributes {dimension_semantics = [#tpu.dimension_semantics<arbitrary>], iteration_bounds = array<i64: 16>, scalar_prefetch = 0 : i64, scratch_operands = 0 : i64, tpu.core_type = #tpu.core_type<tc>, window_params = [{transform_indices = @transform_0, window_bounds = array<i64: 16, 32>}, {transform_indices = @transform_1, window_bounds = array<i64: 1, 1>}, {transform_indices = @transform_2, window_bounds = array<i64: 1, 1>}, {transform_indices = @transform_3, window_bounds = array<i64: 1, 16, 8, 3968>}]} {
    %iota3A = tpu.iota {dimensions = array<i32: 0>} : vector<8x4096xi32>
    %iota3A_0 = tpu.iota {dimensions = array<i32: 1>} : vector<8x4096xi32>
    %sub3A = arith.constant 7 : i32
    %sub3A_1 = vector.broadcast %sub3A : i32 to vector<8x4096xi32>
    %sub3A_2 = arith.subi %sub3A_1, %iota3A : vector<8x4096xi32>
    %add3A = arith.addi %sub3A_2, %iota3A_0 : vector<8x4096xi32>
    %sub3A_3 = arith.constant 2047 : i32
    %sub3A_4 = vector.broadcast %sub3A_3 : i32 to vector<8x4096xi32>
    %sub3A_5 = arith.subi %add3A, %sub3A_4 : vector<8x4096xi32>
    %get3A = arith.constant 0 : index
    %get3A_6 = arith.constant 0 : index
    %get3A_7 = memref.load %arg3[%get3A, %get3A_6] : memref<1x1xi32, #tpu.memory_space<smem>>
    %add3A_8 = vector.broadcast %get3A_7 : i32 to vector<8x4096xi32>
    %add3A_9 = arith.addi %sub3A_5, %add3A_8 : vector<8x4096xi32>
    %neg3A = arith.constant 0 : i32
    %neg3A_10 = vector.broadcast %neg3A : i32 to vector<8x4096xi32>
    %neg3A_11 = arith.subi %neg3A_10, %add3A_9 : vector<8x4096xi32>
    %lt3A = arith.constant 0 : i32
    %lt3A_12 = vector.broadcast %lt3A : i32 to vector<8x4096xi32>
    %lt3A_13 = arith.cmpi slt, %neg3A_11, %lt3A_12 : vector<8x4096xi32>
    %jit3A = arith.constant 16 : i32
    %jit3A_14 = arith.constant 0 : i32
    %broadcast_in_dim3A = vector.broadcast %jit3A : i32 to vector<8x4096xi32>
    %broadcast_in_dim3A_15 = vector.broadcast %jit3A_14 : i32 to vector<8x4096xi32>
    %select_n3A = arith.select %lt3A_13, %broadcast_in_dim3A, %broadcast_in_dim3A_15 : vector<8x4096xi1>, vector<8x4096xi32>
    %abs3A = math.absi %neg3A_11 : vector<8x4096xi32>
    %convert_element_type3A = arith.sitofp %abs3A : vector<8x4096xi32> to vector<8x4096xf32>
    %div3A = arith.constant 8.000000e+00 : f32
    %div3A_16 = vector.broadcast %div3A : f32 to vector<8x4096xf32>
    %div3A_17 = arith.divf %convert_element_type3A, %div3A_16 : vector<8x4096xf32>
    %log3A = math.log %div3A_17 : vector<8x4096xf32>
    %get3A_18 = arith.constant 0 : index
    %get3A_19 = arith.constant 0 : index
    %get3A_20 = memref.load %arg2[%get3A_18, %get3A_19] : memref<1x1xf32, #tpu.memory_space<smem>>
    %div3A_21 = vector.broadcast %get3A_20 : f32 to vector<8x4096xf32>
    %div3A_22 = arith.divf %log3A, %div3A_21 : vector<8x4096xf32>
    %mul3A = arith.constant 8.000000e+00 : f32
    %mul3A_23 = vector.broadcast %mul3A : f32 to vector<8x4096xf32>
    %mul3A_24 = arith.mulf %div3A_22, %mul3A_23 : vector<8x4096xf32>
    %convert_element_type3A_25 = arith.fptosi %mul3A_24 : vector<8x4096xf32> to vector<8x4096xi32>
    %add3A_26 = arith.constant 8 : i32
    %add3A_27 = vector.broadcast %add3A_26 : i32 to vector<8x4096xi32>
    %add3A_28 = arith.addi %add3A_27, %convert_element_type3A_25 : vector<8x4096xi32>
    %min3A = arith.constant 15 : i32
    %min3A_29 = vector.broadcast %min3A : i32 to vector<8x4096xi32>
    %min3A_30 = arith.minsi %add3A_28, %min3A_29 : vector<8x4096xi32>
    %lt3A_31 = arith.constant 8 : i32
    %lt3A_32 = vector.broadcast %lt3A_31 : i32 to vector<8x4096xi32>
    %lt3A_33 = arith.cmpi slt, %abs3A, %lt3A_32 : vector<8x4096xi32>
    %select_n3A_34 = arith.select %lt3A_33, %abs3A, %min3A_30 : vector<8x4096xi1>, vector<8x4096xi32>
    %add3A_35 = arith.addi %select_n3A, %select_n3A_34 : vector<8x4096xi32>
    %broadcast_in_dim3A_36 = arith.constant 0.000000e+00 : f32
    %broadcast_in_dim3A_37 = vector.broadcast %broadcast_in_dim3A_36 : f32 to vector<8x4096xf32>
    %eq3A = arith.constant 0 : i32
    %eq3A_38 = vector.broadcast %eq3A : i32 to vector<8x4096xi32>
    %eq3A_39 = arith.cmpi eq, %add3A_35, %eq3A_38 : vector<8x4096xi32>
    %get3A_40 = arith.index_cast %arg0 : i32 to index
    %get3A_41 = arith.constant 0 : index
    %get3A_42 = memref.load %arg1[%get3A_40, %get3A_41] : memref<16x32xf32, #tpu.memory_space<smem>>
    %jit3A_43 = arith.constant 0.000000e+00 : f32
    %broadcast_in_dim3A_44 = vector.broadcast %get3A_42 : f32 to vector<8x4096xf32>
    %broadcast_in_dim3A_45 = vector.broadcast %jit3A_43 : f32 to vector<8x4096xf32>
    %select_n3A_46 = arith.select %eq3A_39, %broadcast_in_dim3A_44, %broadcast_in_dim3A_45 : vector<8x4096xi1>, vector<8x4096xf32>
    %add3A_47 = arith.addf %broadcast_in_dim3A_37, %select_n3A_46 : vector<8x4096xf32>
    %eq3A_48 = arith.constant 1 : i32
    %eq3A_49 = vector.broadcast %eq3A_48 : i32 to vector<8x4096xi32>
    %eq3A_50 = arith.cmpi eq, %add3A_35, %eq3A_49 : vector<8x4096xi32>
    %get3A_51 = arith.index_cast %arg0 : i32 to index
    %get3A_52 = arith.constant 1 : index
    %get3A_53 = memref.load %arg1[%get3A_51, %get3A_52] : memref<16x32xf32, #tpu.memory_space<smem>>
    %jit3A_54 = arith.constant 0.000000e+00 : f32
    %broadcast_in_dim3A_55 = vector.broadcast %get3A_53 : f32 to vector<8x4096xf32>
    %broadcast_in_dim3A_56 = vector.broadcast %jit3A_54 : f32 to vector<8x4096xf32>
    %select_n3A_57 = arith.select %eq3A_50, %broadcast_in_dim3A_55, %broadcast_in_dim3A_56 : vector<8x4096xi1>, vector<8x4096xf32>
    %add3A_58 = arith.addf %add3A_47, %select_n3A_57 : vector<8x4096xf32>
    %eq3A_59 = arith.constant 2 : i32
    %eq3A_60 = vector.broadcast %eq3A_59 : i32 to vector<8x4096xi32>
    %eq3A_61 = arith.cmpi eq, %add3A_35, %eq3A_60 : vector<8x4096xi32>
    %get3A_62 = arith.index_cast %arg0 : i32 to index
    %get3A_63 = arith.constant 2 : index
    %get3A_64 = memref.load %arg1[%get3A_62, %get3A_63] : memref<16x32xf32, #tpu.memory_space<smem>>
    %jit3A_65 = arith.constant 0.000000e+00 : f32
    %broadcast_in_dim3A_66 = vector.broadcast %get3A_64 : f32 to vector<8x4096xf32>
    %broadcast_in_dim3A_67 = vector.broadcast %jit3A_65 : f32 to vector<8x4096xf32>
    %select_n3A_68 = arith.select %eq3A_61, %broadcast_in_dim3A_66, %broadcast_in_dim3A_67 : vector<8x4096xi1>, vector<8x4096xf32>
    %add3A_69 = arith.addf %add3A_58, %select_n3A_68 : vector<8x4096xf32>
    %eq3A_70 = arith.constant 3 : i32
    %eq3A_71 = vector.broadcast %eq3A_70 : i32 to vector<8x4096xi32>
    %eq3A_72 = arith.cmpi eq, %add3A_35, %eq3A_71 : vector<8x4096xi32>
    %get3A_73 = arith.index_cast %arg0 : i32 to index
    %get3A_74 = arith.constant 3 : index
    %get3A_75 = memref.load %arg1[%get3A_73, %get3A_74] : memref<16x32xf32, #tpu.memory_space<smem>>
    %jit3A_76 = arith.constant 0.000000e+00 : f32
    %broadcast_in_dim3A_77 = vector.broadcast %get3A_75 : f32 to vector<8x4096xf32>
    %broadcast_in_dim3A_78 = vector.broadcast %jit3A_76 : f32 to vector<8x4096xf32>
    %select_n3A_79 = arith.select %eq3A_72, %broadcast_in_dim3A_77, %broadcast_in_dim3A_78 : vector<8x4096xi1>, vector<8x4096xf32>
    %add3A_80 = arith.addf %add3A_69, %select_n3A_79 : vector<8x4096xf32>
    %eq3A_81 = arith.constant 4 : i32
    %eq3A_82 = vector.broadcast %eq3A_81 : i32 to vector<8x4096xi32>
    %eq3A_83 = arith.cmpi eq, %add3A_35, %eq3A_82 : vector<8x4096xi32>
    %get3A_84 = arith.index_cast %arg0 : i32 to index
    %get3A_85 = arith.constant 4 : index
    %get3A_86 = memref.load %arg1[%get3A_84, %get3A_85] : memref<16x32xf32, #tpu.memory_space<smem>>
    %jit3A_87 = arith.constant 0.000000e+00 : f32
    %broadcast_in_dim3A_88 = vector.broadcast %get3A_86 : f32 to vector<8x4096xf32>
    %broadcast_in_dim3A_89 = vector.broadcast %jit3A_87 : f32 to vector<8x4096xf32>
    %select_n3A_90 = arith.select %eq3A_83, %broadcast_in_dim3A_88, %broadcast_in_dim3A_89 : vector<8x4096xi1>, vector<8x4096xf32>
    %add3A_91 = arith.addf %add3A_80, %select_n3A_90 : vector<8x4096xf32>
    %eq3A_92 = arith.constant 5 : i32
    %eq3A_93 = vector.broadcast %eq3A_92 : i32 to vector<8x4096xi32>
    %eq3A_94 = arith.cmpi eq, %add3A_35, %eq3A_93 : vector<8x4096xi32>
    %get3A_95 = arith.index_cast %arg0 : i32 to index
    %get3A_96 = arith.constant 5 : index
    %get3A_97 = memref.load %arg1[%get3A_95, %get3A_96] : memref<16x32xf32, #tpu.memory_space<smem>>
    %jit3A_98 = arith.constant 0.000000e+00 : f32
    %broadcast_in_dim3A_99 = vector.broadcast %get3A_97 : f32 to vector<8x4096xf32>
    %broadcast_in_dim3A_100 = vector.broadcast %jit3A_98 : f32 to vector<8x4096xf32>
    %select_n3A_101 = arith.select %eq3A_94, %broadcast_in_dim3A_99, %broadcast_in_dim3A_100 : vector<8x4096xi1>, vector<8x4096xf32>
    %add3A_102 = arith.addf %add3A_91, %select_n3A_101 : vector<8x4096xf32>
    %eq3A_103 = arith.constant 6 : i32
    %eq3A_104 = vector.broadcast %eq3A_103 : i32 to vector<8x4096xi32>
    %eq3A_105 = arith.cmpi eq, %add3A_35, %eq3A_104 : vector<8x4096xi32>
    %get3A_106 = arith.index_cast %arg0 : i32 to index
    %get3A_107 = arith.constant 6 : index
    %get3A_108 = memref.load %arg1[%get3A_106, %get3A_107] : memref<16x32xf32, #tpu.memory_space<smem>>
    %jit3A_109 = arith.constant 0.000000e+00 : f32
    %broadcast_in_dim3A_110 = vector.broadcast %get3A_108 : f32 to vector<8x4096xf32>
    %broadcast_in_dim3A_111 = vector.broadcast %jit3A_109 : f32 to vector<8x4096xf32>
    %select_n3A_112 = arith.select %eq3A_105, %broadcast_in_dim3A_110, %broadcast_in_dim3A_111 : vector<8x4096xi1>, vector<8x4096xf32>
    %add3A_113 = arith.addf %add3A_102, %select_n3A_112 : vector<8x4096xf32>
    %eq3A_114 = arith.constant 7 : i32
    %eq3A_115 = vector.broadcast %eq3A_114 : i32 to vector<8x4096xi32>
    %eq3A_116 = arith.cmpi eq, %add3A_35, %eq3A_115 : vector<8x4096xi32>
    %get3A_117 = arith.index_cast %arg0 : i32 to index
    %get3A_118 = arith.constant 7 : index
    %get3A_119 = memref.load %arg1[%get3A_117, %get3A_118] : memref<16x32xf32, #tpu.memory_space<smem>>
    %jit3A_120 = arith.constant 0.000000e+00 : f32
    %broadcast_in_dim3A_121 = vector.broadcast %get3A_119 : f32 to vector<8x4096xf32>
    %broadcast_in_dim3A_122 = vector.broadcast %jit3A_120 : f32 to vector<8x4096xf32>
    %select_n3A_123 = arith.select %eq3A_116, %broadcast_in_dim3A_121, %broadcast_in_dim3A_122 : vector<8x4096xi1>, vector<8x4096xf32>
    %add3A_124 = arith.addf %add3A_113, %select_n3A_123 : vector<8x4096xf32>
    %eq3A_125 = arith.constant 8 : i32
    %eq3A_126 = vector.broadcast %eq3A_125 : i32 to vector<8x4096xi32>
    %eq3A_127 = arith.cmpi eq, %add3A_35, %eq3A_126 : vector<8x4096xi32>
    %get3A_128 = arith.index_cast %arg0 : i32 to index
    %get3A_129 = arith.constant 8 : index
    %get3A_130 = memref.load %arg1[%get3A_128, %get3A_129] : memref<16x32xf32, #tpu.memory_space<smem>>
    %jit3A_131 = arith.constant 0.000000e+00 : f32
    %broadcast_in_dim3A_132 = vector.broadcast %get3A_130 : f32 to vector<8x4096xf32>
    %broadcast_in_dim3A_133 = vector.broadcast %jit3A_131 : f32 to vector<8x4096xf32>
    %select_n3A_134 = arith.select %eq3A_127, %broadcast_in_dim3A_132, %broadcast_in_dim3A_133 : vector<8x4096xi1>, vector<8x4096xf32>
    %add3A_135 = arith.addf %add3A_124, %select_n3A_134 : vector<8x4096xf32>
    %eq3A_136 = arith.constant 9 : i32
    %eq3A_137 = vector.broadcast %eq3A_136 : i32 to vector<8x4096xi32>
    %eq3A_138 = arith.cmpi eq, %add3A_35, %eq3A_137 : vector<8x4096xi32>
    %get3A_139 = arith.index_cast %arg0 : i32 to index
    %get3A_140 = arith.constant 9 : index
    %get3A_141 = memref.load %arg1[%get3A_139, %get3A_140] : memref<16x32xf32, #tpu.memory_space<smem>>
    %jit3A_142 = arith.constant 0.000000e+00 : f32
    %broadcast_in_dim3A_143 = vector.broadcast %get3A_141 : f32 to vector<8x4096xf32>
    %broadcast_in_dim3A_144 = vector.broadcast %jit3A_142 : f32 to vector<8x4096xf32>
    %select_n3A_145 = arith.select %eq3A_138, %broadcast_in_dim3A_143, %broadcast_in_dim3A_144 : vector<8x4096xi1>, vector<8x4096xf32>
    %add3A_146 = arith.addf %add3A_135, %select_n3A_145 : vector<8x4096xf32>
    %eq3A_147 = arith.constant 10 : i32
    %eq3A_148 = vector.broadcast %eq3A_147 : i32 to vector<8x4096xi32>
    %eq3A_149 = arith.cmpi eq, %add3A_35, %eq3A_148 : vector<8x4096xi32>
    %get3A_150 = arith.index_cast %arg0 : i32 to index
    %get3A_151 = arith.constant 10 : index
    %get3A_152 = memref.load %arg1[%get3A_150, %get3A_151] : memref<16x32xf32, #tpu.memory_space<smem>>
    %jit3A_153 = arith.constant 0.000000e+00 : f32
    %broadcast_in_dim3A_154 = vector.broadcast %get3A_152 : f32 to vector<8x4096xf32>
    %broadcast_in_dim3A_155 = vector.broadcast %jit3A_153 : f32 to vector<8x4096xf32>
    %select_n3A_156 = arith.select %eq3A_149, %broadcast_in_dim3A_154, %broadcast_in_dim3A_155 : vector<8x4096xi1>, vector<8x4096xf32>
    %add3A_157 = arith.addf %add3A_146, %select_n3A_156 : vector<8x4096xf32>
    %eq3A_158 = arith.constant 11 : i32
    %eq3A_159 = vector.broadcast %eq3A_158 : i32 to vector<8x4096xi32>
    %eq3A_160 = arith.cmpi eq, %add3A_35, %eq3A_159 : vector<8x4096xi32>
    %get3A_161 = arith.index_cast %arg0 : i32 to index
    %get3A_162 = arith.constant 11 : index
    %get3A_163 = memref.load %arg1[%get3A_161, %get3A_162] : memref<16x32xf32, #tpu.memory_space<smem>>
    %jit3A_164 = arith.constant 0.000000e+00 : f32
    %broadcast_in_dim3A_165 = vector.broadcast %get3A_163 : f32 to vector<8x4096xf32>
    %broadcast_in_dim3A_166 = vector.broadcast %jit3A_164 : f32 to vector<8x4096xf32>
    %select_n3A_167 = arith.select %eq3A_160, %broadcast_in_dim3A_165, %broadcast_in_dim3A_166 : vector<8x4096xi1>, vector<8x4096xf32>
    %add3A_168 = arith.addf %add3A_157, %select_n3A_167 : vector<8x4096xf32>
    %eq3A_169 = arith.constant 12 : i32
    %eq3A_170 = vector.broadcast %eq3A_169 : i32 to vector<8x4096xi32>
    %eq3A_171 = arith.cmpi eq, %add3A_35, %eq3A_170 : vector<8x4096xi32>
    %get3A_172 = arith.index_cast %arg0 : i32 to index
    %get3A_173 = arith.constant 12 : index
    %get3A_174 = memref.load %arg1[%get3A_172, %get3A_173] : memref<16x32xf32, #tpu.memory_space<smem>>
    %jit3A_175 = arith.constant 0.000000e+00 : f32
    %broadcast_in_dim3A_176 = vector.broadcast %get3A_174 : f32 to vector<8x4096xf32>
    %broadcast_in_dim3A_177 = vector.broadcast %jit3A_175 : f32 to vector<8x4096xf32>
    %select_n3A_178 = arith.select %eq3A_171, %broadcast_in_dim3A_176, %broadcast_in_dim3A_177 : vector<8x4096xi1>, vector<8x4096xf32>
    %add3A_179 = arith.addf %add3A_168, %select_n3A_178 : vector<8x4096xf32>
    %eq3A_180 = arith.constant 13 : i32
    %eq3A_181 = vector.broadcast %eq3A_180 : i32 to vector<8x4096xi32>
    %eq3A_182 = arith.cmpi eq, %add3A_35, %eq3A_181 : vector<8x4096xi32>
    %get3A_183 = arith.index_cast %arg0 : i32 to index
    %get3A_184 = arith.constant 13 : index
    %get3A_185 = memref.load %arg1[%get3A_183, %get3A_184] : memref<16x32xf32, #tpu.memory_space<smem>>
    %jit3A_186 = arith.constant 0.000000e+00 : f32
    %broadcast_in_dim3A_187 = vector.broadcast %get3A_185 : f32 to vector<8x4096xf32>
    %broadcast_in_dim3A_188 = vector.broadcast %jit3A_186 : f32 to vector<8x4096xf32>
    %select_n3A_189 = arith.select %eq3A_182, %broadcast_in_dim3A_187, %broadcast_in_dim3A_188 : vector<8x4096xi1>, vector<8x4096xf32>
    %add3A_190 = arith.addf %add3A_179, %select_n3A_189 : vector<8x4096xf32>
    %eq3A_191 = arith.constant 14 : i32
    %eq3A_192 = vector.broadcast %eq3A_191 : i32 to vector<8x4096xi32>
    %eq3A_193 = arith.cmpi eq, %add3A_35, %eq3A_192 : vector<8x4096xi32>
    %get3A_194 = arith.index_cast %arg0 : i32 to index
    %get3A_195 = arith.constant 14 : index
    %get3A_196 = memref.load %arg1[%get3A_194, %get3A_195] : memref<16x32xf32, #tpu.memory_space<smem>>
    %jit3A_197 = arith.constant 0.000000e+00 : f32
    %broadcast_in_dim3A_198 = vector.broadcast %get3A_196 : f32 to vector<8x4096xf32>
    %broadcast_in_dim3A_199 = vector.broadcast %jit3A_197 : f32 to vector<8x4096xf32>
    %select_n3A_200 = arith.select %eq3A_193, %broadcast_in_dim3A_198, %broadcast_in_dim3A_199 : vector<8x4096xi1>, vector<8x4096xf32>
    %add3A_201 = arith.addf %add3A_190, %select_n3A_200 : vector<8x4096xf32>
    %eq3A_202 = arith.constant 15 : i32
    %eq3A_203 = vector.broadcast %eq3A_202 : i32 to vector<8x4096xi32>
    %eq3A_204 = arith.cmpi eq, %add3A_35, %eq3A_203 : vector<8x4096xi32>
    %get3A_205 = arith.index_cast %arg0 : i32 to index
    %get3A_206 = arith.constant 15 : index
    %get3A_207 = memref.load %arg1[%get3A_205, %get3A_206] : memref<16x32xf32, #tpu.memory_space<smem>>
    %jit3A_208 = arith.constant 0.000000e+00 : f32
    %broadcast_in_dim3A_209 = vector.broadcast %get3A_207 : f32 to vector<8x4096xf32>
    %broadcast_in_dim3A_210 = vector.broadcast %jit3A_208 : f32 to vector<8x4096xf32>
    %select_n3A_211 = arith.select %eq3A_204, %broadcast_in_dim3A_209, %broadcast_in_dim3A_210 : vector<8x4096xi1>, vector<8x4096xf32>
    %add3A_212 = arith.addf %add3A_201, %select_n3A_211 : vector<8x4096xf32>
    %eq3A_213 = arith.constant 16 : i32
    %eq3A_214 = vector.broadcast %eq3A_213 : i32 to vector<8x4096xi32>
    %eq3A_215 = arith.cmpi eq, %add3A_35, %eq3A_214 : vector<8x4096xi32>
    %get3A_216 = arith.index_cast %arg0 : i32 to index
    %get3A_217 = arith.constant 16 : index
    %get3A_218 = memref.load %arg1[%get3A_216, %get3A_217] : memref<16x32xf32, #tpu.memory_space<smem>>
    %jit3A_219 = arith.constant 0.000000e+00 : f32
    %broadcast_in_dim3A_220 = vector.broadcast %get3A_218 : f32 to vector<8x4096xf32>
    %broadcast_in_dim3A_221 = vector.broadcast %jit3A_219 : f32 to vector<8x4096xf32>
    %select_n3A_222 = arith.select %eq3A_215, %broadcast_in_dim3A_220, %broadcast_in_dim3A_221 : vector<8x4096xi1>, vector<8x4096xf32>
    %add3A_223 = arith.addf %add3A_212, %select_n3A_222 : vector<8x4096xf32>
    %eq3A_224 = arith.constant 17 : i32
    %eq3A_225 = vector.broadcast %eq3A_224 : i32 to vector<8x4096xi32>
    %eq3A_226 = arith.cmpi eq, %add3A_35, %eq3A_225 : vector<8x4096xi32>
    %get3A_227 = arith.index_cast %arg0 : i32 to index
    %get3A_228 = arith.constant 17 : index
    %get3A_229 = memref.load %arg1[%get3A_227, %get3A_228] : memref<16x32xf32, #tpu.memory_space<smem>>
    %jit3A_230 = arith.constant 0.000000e+00 : f32
    %broadcast_in_dim3A_231 = vector.broadcast %get3A_229 : f32 to vector<8x4096xf32>
    %broadcast_in_dim3A_232 = vector.broadcast %jit3A_230 : f32 to vector<8x4096xf32>
    %select_n3A_233 = arith.select %eq3A_226, %broadcast_in_dim3A_231, %broadcast_in_dim3A_232 : vector<8x4096xi1>, vector<8x4096xf32>
    %add3A_234 = arith.addf %add3A_223, %select_n3A_233 : vector<8x4096xf32>
    %eq3A_235 = arith.constant 18 : i32
    %eq3A_236 = vector.broadcast %eq3A_235 : i32 to vector<8x4096xi32>
    %eq3A_237 = arith.cmpi eq, %add3A_35, %eq3A_236 : vector<8x4096xi32>
    %get3A_238 = arith.index_cast %arg0 : i32 to index
    %get3A_239 = arith.constant 18 : index
    %get3A_240 = memref.load %arg1[%get3A_238, %get3A_239] : memref<16x32xf32, #tpu.memory_space<smem>>
    %jit3A_241 = arith.constant 0.000000e+00 : f32
    %broadcast_in_dim3A_242 = vector.broadcast %get3A_240 : f32 to vector<8x4096xf32>
    %broadcast_in_dim3A_243 = vector.broadcast %jit3A_241 : f32 to vector<8x4096xf32>
    %select_n3A_244 = arith.select %eq3A_237, %broadcast_in_dim3A_242, %broadcast_in_dim3A_243 : vector<8x4096xi1>, vector<8x4096xf32>
    %add3A_245 = arith.addf %add3A_234, %select_n3A_244 : vector<8x4096xf32>
    %eq3A_246 = arith.constant 19 : i32
    %eq3A_247 = vector.broadcast %eq3A_246 : i32 to vector<8x4096xi32>
    %eq3A_248 = arith.cmpi eq, %add3A_35, %eq3A_247 : vector<8x4096xi32>
    %get3A_249 = arith.index_cast %arg0 : i32 to index
    %get3A_250 = arith.constant 19 : index
    %get3A_251 = memref.load %arg1[%get3A_249, %get3A_250] : memref<16x32xf32, #tpu.memory_space<smem>>
    %jit3A_252 = arith.constant 0.000000e+00 : f32
    %broadcast_in_dim3A_253 = vector.broadcast %get3A_251 : f32 to vector<8x4096xf32>
    %broadcast_in_dim3A_254 = vector.broadcast %jit3A_252 : f32 to vector<8x4096xf32>
    %select_n3A_255 = arith.select %eq3A_248, %broadcast_in_dim3A_253, %broadcast_in_dim3A_254 : vector<8x4096xi1>, vector<8x4096xf32>
    %add3A_256 = arith.addf %add3A_245, %select_n3A_255 : vector<8x4096xf32>
    %eq3A_257 = arith.constant 20 : i32
    %eq3A_258 = vector.broadcast %eq3A_257 : i32 to vector<8x4096xi32>
    %eq3A_259 = arith.cmpi eq, %add3A_35, %eq3A_258 : vector<8x4096xi32>
    %get3A_260 = arith.index_cast %arg0 : i32 to index
    %get3A_261 = arith.constant 20 : index
    %get3A_262 = memref.load %arg1[%get3A_260, %get3A_261] : memref<16x32xf32, #tpu.memory_space<smem>>
    %jit3A_263 = arith.constant 0.000000e+00 : f32
    %broadcast_in_dim3A_264 = vector.broadcast %get3A_262 : f32 to vector<8x4096xf32>
    %broadcast_in_dim3A_265 = vector.broadcast %jit3A_263 : f32 to vector<8x4096xf32>
    %select_n3A_266 = arith.select %eq3A_259, %broadcast_in_dim3A_264, %broadcast_in_dim3A_265 : vector<8x4096xi1>, vector<8x4096xf32>
    %add3A_267 = arith.addf %add3A_256, %select_n3A_266 : vector<8x4096xf32>
    %eq3A_268 = arith.constant 21 : i32
    %eq3A_269 = vector.broadcast %eq3A_268 : i32 to vector<8x4096xi32>
    %eq3A_270 = arith.cmpi eq, %add3A_35, %eq3A_269 : vector<8x4096xi32>
    %get3A_271 = arith.index_cast %arg0 : i32 to index
    %get3A_272 = arith.constant 21 : index
    %get3A_273 = memref.load %arg1[%get3A_271, %get3A_272] : memref<16x32xf32, #tpu.memory_space<smem>>
    %jit3A_274 = arith.constant 0.000000e+00 : f32
    %broadcast_in_dim3A_275 = vector.broadcast %get3A_273 : f32 to vector<8x4096xf32>
    %broadcast_in_dim3A_276 = vector.broadcast %jit3A_274 : f32 to vector<8x4096xf32>
    %select_n3A_277 = arith.select %eq3A_270, %broadcast_in_dim3A_275, %broadcast_in_dim3A_276 : vector<8x4096xi1>, vector<8x4096xf32>
    %add3A_278 = arith.addf %add3A_267, %select_n3A_277 : vector<8x4096xf32>
    %eq3A_279 = arith.constant 22 : i32
    %eq3A_280 = vector.broadcast %eq3A_279 : i32 to vector<8x4096xi32>
    %eq3A_281 = arith.cmpi eq, %add3A_35, %eq3A_280 : vector<8x4096xi32>
    %get3A_282 = arith.index_cast %arg0 : i32 to index
    %get3A_283 = arith.constant 22 : index
    %get3A_284 = memref.load %arg1[%get3A_282, %get3A_283] : memref<16x32xf32, #tpu.memory_space<smem>>
    %jit3A_285 = arith.constant 0.000000e+00 : f32
    %broadcast_in_dim3A_286 = vector.broadcast %get3A_284 : f32 to vector<8x4096xf32>
    %broadcast_in_dim3A_287 = vector.broadcast %jit3A_285 : f32 to vector<8x4096xf32>
    %select_n3A_288 = arith.select %eq3A_281, %broadcast_in_dim3A_286, %broadcast_in_dim3A_287 : vector<8x4096xi1>, vector<8x4096xf32>
    %add3A_289 = arith.addf %add3A_278, %select_n3A_288 : vector<8x4096xf32>
    %eq3A_290 = arith.constant 23 : i32
    %eq3A_291 = vector.broadcast %eq3A_290 : i32 to vector<8x4096xi32>
    %eq3A_292 = arith.cmpi eq, %add3A_35, %eq3A_291 : vector<8x4096xi32>
    %get3A_293 = arith.index_cast %arg0 : i32 to index
    %get3A_294 = arith.constant 23 : index
    %get3A_295 = memref.load %arg1[%get3A_293, %get3A_294] : memref<16x32xf32, #tpu.memory_space<smem>>
    %jit3A_296 = arith.constant 0.000000e+00 : f32
    %broadcast_in_dim3A_297 = vector.broadcast %get3A_295 : f32 to vector<8x4096xf32>
    %broadcast_in_dim3A_298 = vector.broadcast %jit3A_296 : f32 to vector<8x4096xf32>
    %select_n3A_299 = arith.select %eq3A_292, %broadcast_in_dim3A_297, %broadcast_in_dim3A_298 : vector<8x4096xi1>, vector<8x4096xf32>
    %add3A_300 = arith.addf %add3A_289, %select_n3A_299 : vector<8x4096xf32>
    %eq3A_301 = arith.constant 24 : i32
    %eq3A_302 = vector.broadcast %eq3A_301 : i32 to vector<8x4096xi32>
    %eq3A_303 = arith.cmpi eq, %add3A_35, %eq3A_302 : vector<8x4096xi32>
    %get3A_304 = arith.index_cast %arg0 : i32 to index
    %get3A_305 = arith.constant 24 : index
    %get3A_306 = memref.load %arg1[%get3A_304, %get3A_305] : memref<16x32xf32, #tpu.memory_space<smem>>
    %jit3A_307 = arith.constant 0.000000e+00 : f32
    %broadcast_in_dim3A_308 = vector.broadcast %get3A_306 : f32 to vector<8x4096xf32>
    %broadcast_in_dim3A_309 = vector.broadcast %jit3A_307 : f32 to vector<8x4096xf32>
    %select_n3A_310 = arith.select %eq3A_303, %broadcast_in_dim3A_308, %broadcast_in_dim3A_309 : vector<8x4096xi1>, vector<8x4096xf32>
    %add3A_311 = arith.addf %add3A_300, %select_n3A_310 : vector<8x4096xf32>
    %eq3A_312 = arith.constant 25 : i32
    %eq3A_313 = vector.broadcast %eq3A_312 : i32 to vector<8x4096xi32>
    %eq3A_314 = arith.cmpi eq, %add3A_35, %eq3A_313 : vector<8x4096xi32>
    %get3A_315 = arith.index_cast %arg0 : i32 to index
    %get3A_316 = arith.constant 25 : index
    %get3A_317 = memref.load %arg1[%get3A_315, %get3A_316] : memref<16x32xf32, #tpu.memory_space<smem>>
    %jit3A_318 = arith.constant 0.000000e+00 : f32
    %broadcast_in_dim3A_319 = vector.broadcast %get3A_317 : f32 to vector<8x4096xf32>
    %broadcast_in_dim3A_320 = vector.broadcast %jit3A_318 : f32 to vector<8x4096xf32>
    %select_n3A_321 = arith.select %eq3A_314, %broadcast_in_dim3A_319, %broadcast_in_dim3A_320 : vector<8x4096xi1>, vector<8x4096xf32>
    %add3A_322 = arith.addf %add3A_311, %select_n3A_321 : vector<8x4096xf32>
    %eq3A_323 = arith.constant 26 : i32
    %eq3A_324 = vector.broadcast %eq3A_323 : i32 to vector<8x4096xi32>
    %eq3A_325 = arith.cmpi eq, %add3A_35, %eq3A_324 : vector<8x4096xi32>
    %get3A_326 = arith.index_cast %arg0 : i32 to index
    %get3A_327 = arith.constant 26 : index
    %get3A_328 = memref.load %arg1[%get3A_326, %get3A_327] : memref<16x32xf32, #tpu.memory_space<smem>>
    %jit3A_329 = arith.constant 0.000000e+00 : f32
    %broadcast_in_dim3A_330 = vector.broadcast %get3A_328 : f32 to vector<8x4096xf32>
    %broadcast_in_dim3A_331 = vector.broadcast %jit3A_329 : f32 to vector<8x4096xf32>
    %select_n3A_332 = arith.select %eq3A_325, %broadcast_in_dim3A_330, %broadcast_in_dim3A_331 : vector<8x4096xi1>, vector<8x4096xf32>
    %add3A_333 = arith.addf %add3A_322, %select_n3A_332 : vector<8x4096xf32>
    %eq3A_334 = arith.constant 27 : i32
    %eq3A_335 = vector.broadcast %eq3A_334 : i32 to vector<8x4096xi32>
    %eq3A_336 = arith.cmpi eq, %add3A_35, %eq3A_335 : vector<8x4096xi32>
    %get3A_337 = arith.index_cast %arg0 : i32 to index
    %get3A_338 = arith.constant 27 : index
    %get3A_339 = memref.load %arg1[%get3A_337, %get3A_338] : memref<16x32xf32, #tpu.memory_space<smem>>
    %jit3A_340 = arith.constant 0.000000e+00 : f32
    %broadcast_in_dim3A_341 = vector.broadcast %get3A_339 : f32 to vector<8x4096xf32>
    %broadcast_in_dim3A_342 = vector.broadcast %jit3A_340 : f32 to vector<8x4096xf32>
    %select_n3A_343 = arith.select %eq3A_336, %broadcast_in_dim3A_341, %broadcast_in_dim3A_342 : vector<8x4096xi1>, vector<8x4096xf32>
    %add3A_344 = arith.addf %add3A_333, %select_n3A_343 : vector<8x4096xf32>
    %eq3A_345 = arith.constant 28 : i32
    %eq3A_346 = vector.broadcast %eq3A_345 : i32 to vector<8x4096xi32>
    %eq3A_347 = arith.cmpi eq, %add3A_35, %eq3A_346 : vector<8x4096xi32>
    %get3A_348 = arith.index_cast %arg0 : i32 to index
    %get3A_349 = arith.constant 28 : index
    %get3A_350 = memref.load %arg1[%get3A_348, %get3A_349] : memref<16x32xf32, #tpu.memory_space<smem>>
    %jit3A_351 = arith.constant 0.000000e+00 : f32
    %broadcast_in_dim3A_352 = vector.broadcast %get3A_350 : f32 to vector<8x4096xf32>
    %broadcast_in_dim3A_353 = vector.broadcast %jit3A_351 : f32 to vector<8x4096xf32>
    %select_n3A_354 = arith.select %eq3A_347, %broadcast_in_dim3A_352, %broadcast_in_dim3A_353 : vector<8x4096xi1>, vector<8x4096xf32>
    %add3A_355 = arith.addf %add3A_344, %select_n3A_354 : vector<8x4096xf32>
    %eq3A_356 = arith.constant 29 : i32
    %eq3A_357 = vector.broadcast %eq3A_356 : i32 to vector<8x4096xi32>
    %eq3A_358 = arith.cmpi eq, %add3A_35, %eq3A_357 : vector<8x4096xi32>
    %get3A_359 = arith.index_cast %arg0 : i32 to index
    %get3A_360 = arith.constant 29 : index
    %get3A_361 = memref.load %arg1[%get3A_359, %get3A_360] : memref<16x32xf32, #tpu.memory_space<smem>>
    %jit3A_362 = arith.constant 0.000000e+00 : f32
    %broadcast_in_dim3A_363 = vector.broadcast %get3A_361 : f32 to vector<8x4096xf32>
    %broadcast_in_dim3A_364 = vector.broadcast %jit3A_362 : f32 to vector<8x4096xf32>
    %select_n3A_365 = arith.select %eq3A_358, %broadcast_in_dim3A_363, %broadcast_in_dim3A_364 : vector<8x4096xi1>, vector<8x4096xf32>
    %add3A_366 = arith.addf %add3A_355, %select_n3A_365 : vector<8x4096xf32>
    %eq3A_367 = arith.constant 30 : i32
    %eq3A_368 = vector.broadcast %eq3A_367 : i32 to vector<8x4096xi32>
    %eq3A_369 = arith.cmpi eq, %add3A_35, %eq3A_368 : vector<8x4096xi32>
    %get3A_370 = arith.index_cast %arg0 : i32 to index
    %get3A_371 = arith.constant 30 : index
    %get3A_372 = memref.load %arg1[%get3A_370, %get3A_371] : memref<16x32xf32, #tpu.memory_space<smem>>
    %jit3A_373 = arith.constant 0.000000e+00 : f32
    %broadcast_in_dim3A_374 = vector.broadcast %get3A_372 : f32 to vector<8x4096xf32>
    %broadcast_in_dim3A_375 = vector.broadcast %jit3A_373 : f32 to vector<8x4096xf32>
    %select_n3A_376 = arith.select %eq3A_369, %broadcast_in_dim3A_374, %broadcast_in_dim3A_375 : vector<8x4096xi1>, vector<8x4096xf32>
    %add3A_377 = arith.addf %add3A_366, %select_n3A_376 : vector<8x4096xf32>
    %eq3A_378 = arith.constant 31 : i32
    %eq3A_379 = vector.broadcast %eq3A_378 : i32 to vector<8x4096xi32>
    %eq3A_380 = arith.cmpi eq, %add3A_35, %eq3A_379 : vector<8x4096xi32>
    %get3A_381 = arith.index_cast %arg0 : i32 to index
    %get3A_382 = arith.constant 31 : index
    %get3A_383 = memref.load %arg1[%get3A_381, %get3A_382] : memref<16x32xf32, #tpu.memory_space<smem>>
    %jit3A_384 = arith.constant 0.000000e+00 : f32
    %broadcast_in_dim3A_385 = vector.broadcast %get3A_383 : f32 to vector<8x4096xf32>
    %broadcast_in_dim3A_386 = vector.broadcast %jit3A_384 : f32 to vector<8x4096xf32>
    %select_n3A_387 = arith.select %eq3A_380, %broadcast_in_dim3A_385, %broadcast_in_dim3A_386 : vector<8x4096xi1>, vector<8x4096xf32>
    %add3A_388 = arith.addf %add3A_377, %select_n3A_387 : vector<8x4096xf32>
    %slice3A = vector.extract_strided_slice %add3A_388 {offsets = [0, 0], sizes = [8, 3968], strides = [1, 1]} : vector<8x4096xf32> to vector<8x3968xf32>
    %swap3A = arith.constant 0 : index
    %swap3A_389 = arith.constant 0 : index
    %swap3A_390 = arith.constant 0 : index
    %swap3A_391 = arith.constant 0 : index
    %swap3A_392 = vector.load %arg4[%swap3A, %swap3A_389, %swap3A_390, %swap3A_391] : memref<1x16x8x3968xf32, #tpu.memory_space<vmem>>, vector<1x1x8x3968xf32>
    %swap3A_393 = vector.shape_cast %swap3A_392 : vector<1x1x8x3968xf32> to vector<8x3968xf32>
    %swap3A_394 = vector.shape_cast %slice3A : vector<8x3968xf32> to vector<1x1x8x3968xf32>
    tpu.vector_store %arg4[%swap3A, %swap3A_389, %swap3A_390, %swap3A_391], %swap3A_394 {strides = array<i32>} : memref<1x16x8x3968xf32, #tpu.memory_space<vmem>>, vector<1x1x8x3968xf32>,
    %slice3A_395 = vector.extract_strided_slice %add3A_388 {offsets = [0, 8], sizes = [8, 3968], strides = [1, 1]} : vector<8x4096xf32> to vector<8x3968xf32>
    %swap3A_396 = arith.constant 0 : index
    %swap3A_397 = arith.constant 1 : index
    %swap3A_398 = arith.constant 0 : index
    %swap3A_399 = arith.constant 0 : index
    %swap3A_400 = vector.load %arg4[%swap3A_396, %swap3A_397, %swap3A_398, %swap3A_399] : memref<1x16x8x3968xf32, #tpu.memory_space<vmem>>, vector<1x1x8x3968xf32>
    %swap3A_401 = vector.shape_cast %swap3A_400 : vector<1x1x8x3968xf32> to vector<8x3968xf32>
    %swap3A_402 = vector.shape_cast %slice3A_395 : vector<8x3968xf32> to vector<1x1x8x3968xf32>
    tpu.vector_store %arg4[%swap3A_396, %swap3A_397, %swap3A_398, %swap3A_399], %swap3A_402 {strides = array<i32>} : memref<1x16x8x3968xf32, #tpu.memory_space<vmem>>, vector<1x1x8x3968xf32>,
    %slice3A_403 = vector.extract_strided_slice %add3A_388 {offsets = [0, 16], sizes = [8, 3968], strides = [1, 1]} : vector<8x4096xf32> to vector<8x3968xf32>
    %swap3A_404 = arith.constant 0 : index
    %swap3A_405 = arith.constant 2 : index
    %swap3A_406 = arith.constant 0 : index
    %swap3A_407 = arith.constant 0 : index
    %swap3A_408 = vector.load %arg4[%swap3A_404, %swap3A_405, %swap3A_406, %swap3A_407] : memref<1x16x8x3968xf32, #tpu.memory_space<vmem>>, vector<1x1x8x3968xf32>
    %swap3A_409 = vector.shape_cast %swap3A_408 : vector<1x1x8x3968xf32> to vector<8x3968xf32>
    %swap3A_410 = vector.shape_cast %slice3A_403 : vector<8x3968xf32> to vector<1x1x8x3968xf32>
    tpu.vector_store %arg4[%swap3A_404, %swap3A_405, %swap3A_406, %swap3A_407], %swap3A_410 {strides = array<i32>} : memref<1x16x8x3968xf32, #tpu.memory_space<vmem>>, vector<1x1x8x3968xf32>,
    %slice3A_411 = vector.extract_strided_slice %add3A_388 {offsets = [0, 24], sizes = [8, 3968], strides = [1, 1]} : vector<8x4096xf32> to vector<8x3968xf32>
    %swap3A_412 = arith.constant 0 : index
    %swap3A_413 = arith.constant 3 : index
    %swap3A_414 = arith.constant 0 : index
    %swap3A_415 = arith.constant 0 : index
    %swap3A_416 = vector.load %arg4[%swap3A_412, %swap3A_413, %swap3A_414, %swap3A_415] : memref<1x16x8x3968xf32, #tpu.memory_space<vmem>>, vector<1x1x8x3968xf32>
    %swap3A_417 = vector.shape_cast %swap3A_416 : vector<1x1x8x3968xf32> to vector<8x3968xf32>
    %swap3A_418 = vector.shape_cast %slice3A_411 : vector<8x3968xf32> to vector<1x1x8x3968xf32>
    tpu.vector_store %arg4[%swap3A_412, %swap3A_413, %swap3A_414, %swap3A_415], %swap3A_418 {strides = array<i32>} : memref<1x16x8x3968xf32, #tpu.memory_space<vmem>>, vector<1x1x8x3968xf32>,
    %slice3A_419 = vector.extract_strided_slice %add3A_388 {offsets = [0, 32], sizes = [8, 3968], strides = [1, 1]} : vector<8x4096xf32> to vector<8x3968xf32>
    %swap3A_420 = arith.constant 0 : index
    %swap3A_421 = arith.constant 4 : index
    %swap3A_422 = arith.constant 0 : index
    %swap3A_423 = arith.constant 0 : index
    %swap3A_424 = vector.load %arg4[%swap3A_420, %swap3A_421, %swap3A_422, %swap3A_423] : memref<1x16x8x3968xf32, #tpu.memory_space<vmem>>, vector<1x1x8x3968xf32>
    %swap3A_425 = vector.shape_cast %swap3A_424 : vector<1x1x8x3968xf32> to vector<8x3968xf32>
    %swap3A_426 = vector.shape_cast %slice3A_419 : vector<8x3968xf32> to vector<1x1x8x3968xf32>
    tpu.vector_store %arg4[%swap3A_420, %swap3A_421, %swap3A_422, %swap3A_423], %swap3A_426 {strides = array<i32>} : memref<1x16x8x3968xf32, #tpu.memory_space<vmem>>, vector<1x1x8x3968xf32>,
    %slice3A_427 = vector.extract_strided_slice %add3A_388 {offsets = [0, 40], sizes = [8, 3968], strides = [1, 1]} : vector<8x4096xf32> to vector<8x3968xf32>
    %swap3A_428 = arith.constant 0 : index
    %swap3A_429 = arith.constant 5 : index
    %swap3A_430 = arith.constant 0 : index
    %swap3A_431 = arith.constant 0 : index
    %swap3A_432 = vector.load %arg4[%swap3A_428, %swap3A_429, %swap3A_430, %swap3A_431] : memref<1x16x8x3968xf32, #tpu.memory_space<vmem>>, vector<1x1x8x3968xf32>
    %swap3A_433 = vector.shape_cast %swap3A_432 : vector<1x1x8x3968xf32> to vector<8x3968xf32>
    %swap3A_434 = vector.shape_cast %slice3A_427 : vector<8x3968xf32> to vector<1x1x8x3968xf32>
    tpu.vector_store %arg4[%swap3A_428, %swap3A_429, %swap3A_430, %swap3A_431], %swap3A_434 {strides = array<i32>} : memref<1x16x8x3968xf32, #tpu.memory_space<vmem>>, vector<1x1x8x3968xf32>,
    %slice3A_435 = vector.extract_strided_slice %add3A_388 {offsets = [0, 48], sizes = [8, 3968], strides = [1, 1]} : vector<8x4096xf32> to vector<8x3968xf32>
    %swap3A_436 = arith.constant 0 : index
    %swap3A_437 = arith.constant 6 : index
    %swap3A_438 = arith.constant 0 : index
    %swap3A_439 = arith.constant 0 : index
    %swap3A_440 = vector.load %arg4[%swap3A_436, %swap3A_437, %swap3A_438, %swap3A_439] : memref<1x16x8x3968xf32, #tpu.memory_space<vmem>>, vector<1x1x8x3968xf32>
    %swap3A_441 = vector.shape_cast %swap3A_440 : vector<1x1x8x3968xf32> to vector<8x3968xf32>
    %swap3A_442 = vector.shape_cast %slice3A_435 : vector<8x3968xf32> to vector<1x1x8x3968xf32>
    tpu.vector_store %arg4[%swap3A_436, %swap3A_437, %swap3A_438, %swap3A_439], %swap3A_442 {strides = array<i32>} : memref<1x16x8x3968xf32, #tpu.memory_space<vmem>>, vector<1x1x8x3968xf32>,
    %slice3A_443 = vector.extract_strided_slice %add3A_388 {offsets = [0, 56], sizes = [8, 3968], strides = [1, 1]} : vector<8x4096xf32> to vector<8x3968xf32>
    %swap3A_444 = arith.constant 0 : index
    %swap3A_445 = arith.constant 7 : index
    %swap3A_446 = arith.constant 0 : index
    %swap3A_447 = arith.constant 0 : index
    %swap3A_448 = vector.load %arg4[%swap3A_444, %swap3A_445, %swap3A_446, %swap3A_447] : memref<1x16x8x3968xf32, #tpu.memory_space<vmem>>, vector<1x1x8x3968xf32>
    %swap3A_449 = vector.shape_cast %swap3A_448 : vector<1x1x8x3968xf32> to vector<8x3968xf32>
    %swap3A_450 = vector.shape_cast %slice3A_443 : vector<8x3968xf32> to vector<1x1x8x3968xf32>
    tpu.vector_store %arg4[%swap3A_444, %swap3A_445, %swap3A_446, %swap3A_447], %swap3A_450 {strides = array<i32>} : memref<1x16x8x3968xf32, #tpu.memory_space<vmem>>, vector<1x1x8x3968xf32>,
    %slice3A_451 = vector.extract_strided_slice %add3A_388 {offsets = [0, 64], sizes = [8, 3968], strides = [1, 1]} : vector<8x4096xf32> to vector<8x3968xf32>
    %swap3A_452 = arith.constant 0 : index
    %swap3A_453 = arith.constant 8 : index
    %swap3A_454 = arith.constant 0 : index
    %swap3A_455 = arith.constant 0 : index
    %swap3A_456 = vector.load %arg4[%swap3A_452, %swap3A_453, %swap3A_454, %swap3A_455] : memref<1x16x8x3968xf32, #tpu.memory_space<vmem>>, vector<1x1x8x3968xf32>
    %swap3A_457 = vector.shape_cast %swap3A_456 : vector<1x1x8x3968xf32> to vector<8x3968xf32>
    %swap3A_458 = vector.shape_cast %slice3A_451 : vector<8x3968xf32> to vector<1x1x8x3968xf32>
    tpu.vector_store %arg4[%swap3A_452, %swap3A_453, %swap3A_454, %swap3A_455], %swap3A_458 {strides = array<i32>} : memref<1x16x8x3968xf32, #tpu.memory_space<vmem>>, vector<1x1x8x3968xf32>,
    %slice3A_459 = vector.extract_strided_slice %add3A_388 {offsets = [0, 72], sizes = [8, 3968], strides = [1, 1]} : vector<8x4096xf32> to vector<8x3968xf32>
    %swap3A_460 = arith.constant 0 : index
    %swap3A_461 = arith.constant 9 : index
    %swap3A_462 = arith.constant 0 : index
    %swap3A_463 = arith.constant 0 : index
    %swap3A_464 = vector.load %arg4[%swap3A_460, %swap3A_461, %swap3A_462, %swap3A_463] : memref<1x16x8x3968xf32, #tpu.memory_space<vmem>>, vector<1x1x8x3968xf32>
    %swap3A_465 = vector.shape_cast %swap3A_464 : vector<1x1x8x3968xf32> to vector<8x3968xf32>
    %swap3A_466 = vector.shape_cast %slice3A_459 : vector<8x3968xf32> to vector<1x1x8x3968xf32>
    tpu.vector_store %arg4[%swap3A_460, %swap3A_461, %swap3A_462, %swap3A_463], %swap3A_466 {strides = array<i32>} : memref<1x16x8x3968xf32, #tpu.memory_space<vmem>>, vector<1x1x8x3968xf32>,
    %slice3A_467 = vector.extract_strided_slice %add3A_388 {offsets = [0, 80], sizes = [8, 3968], strides = [1, 1]} : vector<8x4096xf32> to vector<8x3968xf32>
    %swap3A_468 = arith.constant 0 : index
    %swap3A_469 = arith.constant 10 : index
    %swap3A_470 = arith.constant 0 : index
    %swap3A_471 = arith.constant 0 : index
    %swap3A_472 = vector.load %arg4[%swap3A_468, %swap3A_469, %swap3A_470, %swap3A_471] : memref<1x16x8x3968xf32, #tpu.memory_space<vmem>>, vector<1x1x8x3968xf32>
    %swap3A_473 = vector.shape_cast %swap3A_472 : vector<1x1x8x3968xf32> to vector<8x3968xf32>
    %swap3A_474 = vector.shape_cast %slice3A_467 : vector<8x3968xf32> to vector<1x1x8x3968xf32>
    tpu.vector_store %arg4[%swap3A_468, %swap3A_469, %swap3A_470, %swap3A_471], %swap3A_474 {strides = array<i32>} : memref<1x16x8x3968xf32, #tpu.memory_space<vmem>>, vector<1x1x8x3968xf32>,
    %slice3A_475 = vector.extract_strided_slice %add3A_388 {offsets = [0, 88], sizes = [8, 3968], strides = [1, 1]} : vector<8x4096xf32> to vector<8x3968xf32>
    %swap3A_476 = arith.constant 0 : index
    %swap3A_477 = arith.constant 11 : index
    %swap3A_478 = arith.constant 0 : index
    %swap3A_479 = arith.constant 0 : index
    %swap3A_480 = vector.load %arg4[%swap3A_476, %swap3A_477, %swap3A_478, %swap3A_479] : memref<1x16x8x3968xf32, #tpu.memory_space<vmem>>, vector<1x1x8x3968xf32>
    %swap3A_481 = vector.shape_cast %swap3A_480 : vector<1x1x8x3968xf32> to vector<8x3968xf32>
    %swap3A_482 = vector.shape_cast %slice3A_475 : vector<8x3968xf32> to vector<1x1x8x3968xf32>
    tpu.vector_store %arg4[%swap3A_476, %swap3A_477, %swap3A_478, %swap3A_479], %swap3A_482 {strides = array<i32>} : memref<1x16x8x3968xf32, #tpu.memory_space<vmem>>, vector<1x1x8x3968xf32>,
    %slice3A_483 = vector.extract_strided_slice %add3A_388 {offsets = [0, 96], sizes = [8, 3968], strides = [1, 1]} : vector<8x4096xf32> to vector<8x3968xf32>
    %swap3A_484 = arith.constant 0 : index
    %swap3A_485 = arith.constant 12 : index
    %swap3A_486 = arith.constant 0 : index
    %swap3A_487 = arith.constant 0 : index
    %swap3A_488 = vector.load %arg4[%swap3A_484, %swap3A_485, %swap3A_486, %swap3A_487] : memref<1x16x8x3968xf32, #tpu.memory_space<vmem>>, vector<1x1x8x3968xf32>
    %swap3A_489 = vector.shape_cast %swap3A_488 : vector<1x1x8x3968xf32> to vector<8x3968xf32>
    %swap3A_490 = vector.shape_cast %slice3A_483 : vector<8x3968xf32> to vector<1x1x8x3968xf32>
    tpu.vector_store %arg4[%swap3A_484, %swap3A_485, %swap3A_486, %swap3A_487], %swap3A_490 {strides = array<i32>} : memref<1x16x8x3968xf32, #tpu.memory_space<vmem>>, vector<1x1x8x3968xf32>,
    %slice3A_491 = vector.extract_strided_slice %add3A_388 {offsets = [0, 104], sizes = [8, 3968], strides = [1, 1]} : vector<8x4096xf32> to vector<8x3968xf32>
    %swap3A_492 = arith.constant 0 : index
    %swap3A_493 = arith.constant 13 : index
    %swap3A_494 = arith.constant 0 : index
    %swap3A_495 = arith.constant 0 : index
    %swap3A_496 = vector.load %arg4[%swap3A_492, %swap3A_493, %swap3A_494, %swap3A_495] : memref<1x16x8x3968xf32, #tpu.memory_space<vmem>>, vector<1x1x8x3968xf32>
    %swap3A_497 = vector.shape_cast %swap3A_496 : vector<1x1x8x3968xf32> to vector<8x3968xf32>
    %swap3A_498 = vector.shape_cast %slice3A_491 : vector<8x3968xf32> to vector<1x1x8x3968xf32>
    tpu.vector_store %arg4[%swap3A_492, %swap3A_493, %swap3A_494, %swap3A_495], %swap3A_498 {strides = array<i32>} : memref<1x16x8x3968xf32, #tpu.memory_space<vmem>>, vector<1x1x8x3968xf32>,
    %slice3A_499 = vector.extract_strided_slice %add3A_388 {offsets = [0, 112], sizes = [8, 3968], strides = [1, 1]} : vector<8x4096xf32> to vector<8x3968xf32>
    %swap3A_500 = arith.constant 0 : index
    %swap3A_501 = arith.constant 14 : index
    %swap3A_502 = arith.constant 0 : index
    %swap3A_503 = arith.constant 0 : index
    %swap3A_504 = vector.load %arg4[%swap3A_500, %swap3A_501, %swap3A_502, %swap3A_503] : memref<1x16x8x3968xf32, #tpu.memory_space<vmem>>, vector<1x1x8x3968xf32>
    %swap3A_505 = vector.shape_cast %swap3A_504 : vector<1x1x8x3968xf32> to vector<8x3968xf32>
    %swap3A_506 = vector.shape_cast %slice3A_499 : vector<8x3968xf32> to vector<1x1x8x3968xf32>
    tpu.vector_store %arg4[%swap3A_500, %swap3A_501, %swap3A_502, %swap3A_503], %swap3A_506 {strides = array<i32>} : memref<1x16x8x3968xf32, #tpu.memory_space<vmem>>, vector<1x1x8x3968xf32>,
    %slice3A_507 = vector.extract_strided_slice %add3A_388 {offsets = [0, 120], sizes = [8, 3968], strides = [1, 1]} : vector<8x4096xf32> to vector<8x3968xf32>
    %swap3A_508 = arith.constant 0 : index
    %swap3A_509 = arith.constant 15 : index
    %swap3A_510 = arith.constant 0 : index
    %swap3A_511 = arith.constant 0 : index
    %swap3A_512 = vector.load %arg4[%swap3A_508, %swap3A_509, %swap3A_510, %swap3A_511] : memref<1x16x8x3968xf32, #tpu.memory_space<vmem>>, vector<1x1x8x3968xf32>
    %swap3A_513 = vector.shape_cast %swap3A_512 : vector<1x1x8x3968xf32> to vector<8x3968xf32>
    %swap3A_514 = vector.shape_cast %slice3A_507 : vector<8x3968xf32> to vector<1x1x8x3968xf32>
    tpu.vector_store %arg4[%swap3A_508, %swap3A_509, %swap3A_510, %swap3A_511], %swap3A_514 {strides = array<i32>} : memref<1x16x8x3968xf32, #tpu.memory_space<vmem>>, vector<1x1x8x3968xf32>,
    return
  }
  func.func @transform_0(%arg0: i32) -> (i32, i32) {
    %c0_i32 = arith.constant 0 : i32
    %c0_i32_0 = arith.constant 0 : i32
    %c0_i32_1 = arith.constant 0 : i32
    return %c0_i32, %c0_i32_0 : i32, i32
  }
  func.func @transform_1(%arg0: i32) -> (i32, i32) {
    %c0_i32 = arith.constant 0 : i32
    %c0_i32_0 = arith.constant 0 : i32
    %c0_i32_1 = arith.constant 0 : i32
    return %c0_i32, %c0_i32_0 : i32, i32
  }
  func.func @transform_2(%arg0: i32) -> (i32, i32) {
    %c0_i32 = arith.constant 0 : i32
    %c0_i32_0 = arith.constant 0 : i32
    %c0_i32_1 = arith.constant 0 : i32
    return %c0_i32, %c0_i32_0 : i32, i32
  }
  func.func @transform_3(%arg0: i32) -> (i32, i32, i32, i32) {
    %c0_i32 = arith.constant 0 : i32
    %c0_i32_0 = arith.constant 0 : i32
    %c0_i32_1 = arith.constant 0 : i32
    %c0_i32_2 = arith.constant 0 : i32
    return %arg0, %c0_i32, %c0_i32_0, %c0_i32_1 : i32, i32, i32, i32
  }
}

</mosaic_0001>

<sc_bundles>
// kernel: kernel.4.cloned.1.call-start
scs
__scs_entry_jumppad:
0x0: {  	(pc) =	sbr.rel $0x88, $3  }
0x1: {  	(tag) =	ssettag $0x0;
	lr =	simm.s32 $0x1  }
0x2: {  	[smem:$0x3F9E] =	sst lr;
	_ =	strace $0xD0000000  }
0x3: {  	_ = 	snop  }
0x4: {  	_ = 	snop  }
0x5: {  	_ = 	snop  }
0x6: {  	_ = 	snop  }
0x7: {  	_ = 	snop  }
__scs_overlays_trampoline_lowered:
0x8: {  	[smem:$0x3FAD] =	sst s0  }
0x9: {  	[smem:$0x3FAE] =	sst s1  }
0xa: {  	[smem:$0x3FAF] =	sst s2  }
0xb: {  	[smem:$0x3FB0] =	sst s3  }
0xc: {  	[smem:$0x3FB1] =	sst s4  }
0xd: {  	[smem:$0x3FB2] =	sst s5  }
0xe: {  	[smem:$0x3FB3] =	sst s6  }
0xf: {  	[smem:$0x3FB4] =	sst s7  }
0x10: {  	[smem:$0x3FB5] =	sst s8  }
0x11: {  	[smem:$0x3FB6] =	sst s9;
	s0 =	simm.s32 @!p0 $0x0  }
0x12: {  	s1 =	sld [smem:$0x3F9C];
	s0 =	simm.s32 @p0 $0x1  }
0x13: {  	[smem:$0x3FB7] =	sst s0;
	s0 =	simm.s32 @!p1 $0x0  }
0x14: {  	s2 =	sld [smem:$0x3F9B];
	s0 =	simm.s32 @p1 $0x1  }
0x15: {  	[smem:$0x3FB8] =	sst s0;
	s0 =	simm.s32 @!p2 $0x0  }
0x16: {  	s3 =	sld [smem:$0x3FDB];
	s0 =	simm.s32 @p2 $0x1  }
0x17: {  	s4 =	simm.s32 $0x1BF5;
	[smem:$0x3FBA] =	sst s0  }
0x18: {  	s0 =	sld [smem:$0x3F9D];
	_ =	swait.ge [sflag:s4], $0x0  }
0x19: {  	s7 =	sld [smem:$0x3F9E]  }
0x1a: {  	s8 =	sadd.s32 $0xFFFFE003, lr  }
0x1b: {  	s9 =	sadd.s32 $0xFFFFFEF7, lr;
	s5 =	simm.s32 $0xFFFFFFFF;
	p2 =	slt.u32 s8, $0xFFFFF086  }
0x1c: {  	p1 =	slt.u32 s9, $0xF7A;
	s5 =	simm.s32 @!p2 $0x0  }
0x1d: {  	s5 =	simm.s32 @p1 $0x1;
	p0 =	seq.s32 s7, s2  }
0x1e: {  	s7 =	smul.u32 @!p0 $0xF7A, s2;
	p2 =	seq.s32 @!p0 s5, $0x0  }
0x1f: {  	s9 =	smul.u32 $0xF7A, s1;
	s8 =	simm.s32 @!p0 $0x1BF5;
	p2 =	por !p2, p0  }
0x20: {  	[sflag:s8] =	ssyncset.s32 @!p0 $0xFFFFF086;
	s6 =	sadd.s32 @!p0 s3, s7;
	s7 =	simm.s32 @!p0 $0x108  }
0x21: {  	s3 =	sadd.s32 s3, s9;
	s6 =	sadd.s32 @!p0 $0x88, s6;
	s7 =	simm.s32 @p2 $0x1082  }
0x22: {  	[simem:s7], [sflag:s8] =	dma.local @!p0 [hbm:s6], $0xF7A  }
0x23: {  	s9 =	sor.u32 $0xD0000000, s2;
	s6 =	simm.s32 $0x108;
	_ =	swait.ge @!p0 [sflag:s8], $0x0  }
0x24: {  	s3 =	sadd.s32 $0x88, s3;
	s6 =	simm.s32 @!p1 $0x1082;
	[sflag:s4] =	ssyncset.s32 $0xFFFFF086  }
0x25: {  	[simem:s6], [sflag:s4] =	dma.local [hbm:s3], $0xF7A  }
0x26: {  	[smem:$0x3F9E] =	sst s1;
	(tag) =	ssettag s2;
	_ =	strace s9  }
0x27: {  	s1 =	sld [smem:$0x3FAE]  }
0x28: {  	s2 =	sld [smem:$0x3FAF]  }
0x29: {  	s4 =	sld [smem:$0x3FB1]  }
0x2a: {  	p0 =	seq.s32 s5, $0x0;
	s5 =	sld [smem:$0x3FB2]  }
0x2b: {  	s6 =	sld [smem:$0x3FB3]  }
0x2c: {  	s7 =	sld [smem:$0x3FB4]  }
0x2d: {  	s3 =	simm.s32 $0x108;
	s8 =	sld [smem:$0x3FB5]  }
0x2e: {  	s3 =	simm.s32 @!p0 $0x1082;
	s9 =	sld [smem:$0x3FB6]  }
0x2f: {  	lr =	sadd.s32 s0, s3;
	s0 =	sld [smem:$0x3FAD]  }
0x30: {  	s3 =	sld [smem:$0x3FB0]  }
0x31: {  	[smem:$0x3FB9] =	sst s10  }
0x32: {  	s10 =	sld [smem:$0x3FB7];
	_ =	sdelay $0x3  }
0x33: {  	p0 =	seq.s32 s10, $0x1;
	s10 =	sld [smem:$0x3FB9];
	_ =	sdelay $0x3  }
0x34: {  	[smem:$0x3FB9] =	sst s10  }
0x35: {  	s10 =	sld [smem:$0x3FB8];
	_ =	sdelay $0x3  }
0x36: {  	p1 =	seq.s32 s10, $0x1;
	s10 =	sld [smem:$0x3FB9];
	_ =	sdelay $0x3  }
0x37: {  	[smem:$0x3FB9] =	sst s10  }
0x38: {  	s10 =	sld [smem:$0x3FBA]  }
0x39: {  	_ = 	snop;
	(pc) =	sbr.ind lr, $3  }
0x3a: {  	_ = 	snop  }
0x3b: {  	_ = 	snop  }
0x3c: {  	p2 =	seq.s32 s10, $0x1;
	s10 =	sld [smem:$0x3FB9]  }
0x3d: {  	_ =	shalt  }
0x3e: {  	_ =	shalt  }
0x3f: {  	_ =	shalt  }
0x40: {  	_ =	shalt  }
0x41: {  	_ =	shalt  }
0x42: {  	_ =	shalt  }
0x43: {  	_ =	shalt  }
0x44: {  	_ =	shalt  }
0x45: {  	_ =	shalt  }
0x46: {  	_ =	shalt  }
0x47: {  	_ =	shalt  }
0x48: {  	_ =	shalt  }
0x49: {  	_ =	shalt  }
0x4a: {  	_ =	shalt  }
0x4b: {  	_ =	shalt  }
0x4c: {  	_ =	shalt  }
0x4d: {  	_ =	shalt  }
0x4e: {  	_ =	shalt  }
0x4f: {  	_ =	shalt  }
0x50: {  	_ =	shalt  }
0x51: {  	_ =	shalt  }
0x52: {  	_ =	shalt  }
0x53: {  	_ =	shalt  }
0x54: {  	_ =	shalt  }
0x55: {  	_ =	shalt  }
0x56: {  	_ =	shalt  }
0x57: {  	_ =	shalt  }
0x58: {  	_ =	shalt  }
0x59: {  	_ =	shalt  }
0x5a: {  	_ =	shalt  }
0x5b: {  	_ =	shalt  }
0x5c: {  	_ =	shalt  }
0x5d: {  	_ =	shalt  }
0x5e: {  	_ =	shalt  }
0x5f: {  	_ =	shalt  }
0x60: {  	_ =	shalt  }
0x61: {  	_ =	shalt  }
0x62: {  	_ =	shalt  }
0x63: {  	_ =	shalt  }
0x64: {  	_ =	shalt  }
0x65: {  	_ =	shalt  }
0x66: {  	_ =	shalt  }
0x67: {  	_ =	shalt  }
0x68: {  	_ =	shalt  }
0x69: {  	_ =	shalt  }
0x6a: {  	_ =	shalt  }
0x6b: {  	_ =	shalt  }
0x6c: {  	_ =	shalt  }
0x6d: {  	_ =	shalt  }
0x6e: {  	_ =	shalt  }
0x6f: {  	_ =	shalt  }
0x70: {  	_ =	shalt  }
0x71: {  	_ =	shalt  }
0x72: {  	_ =	shalt  }
0x73: {  	_ =	shalt  }
0x74: {  	_ =	shalt  }
0x75: {  	_ =	shalt  }
0x76: {  	_ =	shalt  }
0x77: {  	_ =	shalt  }
0x78: {  	_ =	shalt  }
0x79: {  	_ =	shalt  }
0x7a: {  	_ =	shalt  }
0x7b: {  	_ =	shalt  }
0x7c: {  	_ =	shalt  }
0x7d: {  	_ =	shalt  }
0x7e: {  	_ =	shalt  }
0x7f: {  	_ =	shalt  }
0x80: {  	_ =	shalt  }
0x81: {  	_ =	shalt  }
0x82: {  	_ =	shalt  }
0x83: {  	_ =	shalt  }
0x84: {  	_ =	shalt  }
0x85: {  	_ =	shalt  }
0x86: {  	_ =	shalt  }
0x87: {  	_ =	shalt  }
.Lfunc_end0:
.L_simem_size_0:
called_computation_lowered:
.L_overlay_start_0:
0x88: {  	s2 =	sld [smem:$0x3FD9]  }
0x89: {  	s3 =	sld [smem:$0x3FFE];
	_ =	sdelay $0x1  }
0x8a: {  	s1 =	srdreg.scid  }
0x8b: {  	s0 =	sand.u32 $0x1, s1  }
0x8c: {  	s17 =	sshll.u32 s0, $0xA;
	s2 =	sadd.s32 s3, s2  }
0x8d: {  	s2 =	sadd.s32 s2, s17  }
0x8e: {  	[smem:$0x3FC5] =	sst s2  }
0x8f: {  	_ = 	snop  }
0x90: {  	s2 =	sld [smem:$0x3FD0];
	(tm) =	ssettm $0x1  }
0x91: {  	s18 =	sld [smem:$0x3FFB];
	_ =	sdelay $0x3  }
0x92: {  	_ =	strace s18  }
0x93: {  	s3 =	sld [smem:$0x3FFC];
	_ =	sdelay $0x3  }
0x94: {  	_ =	strace s3  }
0x95: {  	s3 =	sld [smem:$0x3FFD];
	_ =	sdelay $0x3  }
0x96: {  	_ =	strace s3  }
0x97: {  	_ =	strace $0x8FFFFFFF  }
0x98: {  	s19 =	sld [smem:$0x3FDB];
	_ =	sdelay $0x1  }
0x99: {  	s4 =	simm.s32 $_scs_section_size  }
0x9a: {  	s5 =	simm.s32 $_size__tile_overlayer_lowered;
	s6 =	simm.s32 $_tile_overlayer_lowered  }
0x9b: {  	s22 =	simm.s32 $0x1BFF;
	s21 =	sshll.u32 s6, $0x1;
	s3 =	sadd.s32 s4, s19  }
0x9c: {  	s7 =	simm.s32 $0x0;
	s20 =	sshll.u32 s5, $0x1;
	s5 =	sadd.s32 s21, s3  }
0x9d: {  	[timem:s7], [sflag:s22] =	dma.local [hbm:s5], s20  }
0x9e: {  	_ =	swait.ge [sflag:s22], s20  }
0x9f: {  	s4 =	ssub.s32 $0x0, s20;
	[sflag:s22] =	ssyncset.done $0x0  }
0xa0: {  	[sflag:s22] =	ssyncadd.s32 s4;
	_ =	sdelay $0x1  }
0xa1: {  	s23 =	simm.s32 $0x1B8B  }
0xa2: {  	_ =	swait.ge [sflag:s23], $0x1  }
0xa3: {  	[sflag:s23] =	ssyncset.done $0x0  }
0xa4: {  	s25 =	simm.s32 $0x1B8E;
	s24 =	sld [smem:$0x3FFE];
	[sflag:s23] =	ssyncadd.s32 $0xFFFFFFFF  }
0xa5: {  	s26 =	simm.s32 $execute0_lowered;
	[smem:$0x3FD2] =	sst s25  }
0xa6: {  	s5 =	sshll.u32 s26, $0x1;
	_ =	strace $0x80000046;
	[dreg:$0x1] =	wrdreg $0xFFFFFFFF  }
0xa7: {  	s28 =	simm.s32 $_size_execute0_lowered;
	s3 =	sadd.s32 s3, s5;
	[dreg:$0x0] =	wrdreg $0x0  }
0xa8: {  	s5 =	sshll.u32 s28, $0x1;
	[dreg:$0x2] =	wrdreg s3  }
0xa9: {  	[dreg:$0x3] =	wrdreg s5  }
0xaa: {  	[dreg:$0x4] =	wrdreg $0xC0  }
0xab: {  	_ =	task [dreg:s7], $0x5FFFF  }
0xac: {  	[dreg:$0x1] =	wrdreg $0xFFFFFFFF  }
0xad: {  	[dreg:$0x0] =	wrdreg $0x60  }
0xae: {  	[dreg:$0x2] =	wrdreg s24  }
0xaf: {  	[dreg:$0x3] =	wrdreg s2  }
0xb0: {  	[dreg:$0x4] =	wrdreg $0x0  }
0xb1: {  	[dreg:$0x5] =	wrdreg $0x9  }
0xb2: {  	_ =	task.clear_ibuf [dreg:s7], $0x6FFFF;
	_ =	strace $0x90000046  }
0xb3: {  	s29 =	simm.s32 $0x9;
	_ =	strace $0x80000048  }
0xb4: {  	_ =	swait.ge [sflag:s29], $0x1  }
0xb5: {  	[sflag:s29] =	ssyncadd.s32 $0xFFFFFFFF  }
0xb6: {  	_ =	strace $0x90000048  }
0xb7: {  	_ =	sfence  }
0xb8: {  	s30 =	sld [smem:$0x0];
	_ =	sdelay $0x2  }
0xb9: {  	s31 =	sshll.u32 s1, $0xD;
	s1 =	sshrl.u32 s1, $0x2  }
0xba: {  	s3 =	sand.u32 $0x4000, s31;
	s1 =	sadd.s32 s1, s30  }
0xbb: {  	s0 =	sor.u32 s3, s0;
	s1 =	sshll.u32 s1, $0x11  }
0xbc: {  	s0 =	sor.u32 s1, s0  }
0xbd: {  	s0 =	sadd.s32 $0x8F2B, s0  }
0xbe: {  	[sflag:s0] =	ssyncadd.remote.s32 $0x1  }
0xbf: {  	_ =	sfence.sel $0xFFFF  }
0xc0: {  	[dreg:$0x0] =	wrdreg $0xFFFFFFFF;
	(pc) =	sbr.abs _section_cstart, $3  }
0xc1: {  	[dreg:$0x1] =	wrdreg $0xFFFFFFFF  }
0xc2: {  	_ =	task.clear_ibuf [dreg:s7], $0x2FFFF;
	_ =	strace $0x9FFFFFFF  }
0xc3: {  	(tm) =	ssettm $0x7FFFFFFF  }
tec
execute0_lowered:
.L_overlay_start_1:
0x0: {  	(tag) =	ssettag $0x1  }
0x1: {  	s3 =	rddreg [dreg:$0x0]  }
0x2: {  	s7 =	rddreg [dreg:$0x1]  }
0x3: {  	s1 =	rddreg [dreg:$0x2]  }
0x4: {  	s0 =	rddreg [dreg:$0x3];
	s2 =	simm.s32 $0x0;
	s4 =	srdreg.scid  }
0x5: {  	s11 =	stileid.u32;
	[smem:$0x7FF] =	sst s2  }
0x6: {  	s8 =	sand.u32 $0x1, s4;
	s3 =	sadd.s32 $0x600, s3;
	s9 =	sshll.u32 s11, $0x7  }
0x7: {  	s31 =	sshll.u32 s11, $0xF;
	s10 =	sshll.u32 s11, $0xA;
	p0 =	sne.s32 s11, $0x0  }
0x8: {  	s12 =	sshll.u32 s11, $0x6;
	p1 =	seq.s32 s11, $0x0;
	s4 =	ssub.s32 $0x2, s8  }
0x9: {  	_ =	strace $0x80000047;
	s5 =	smul.u32 $0x7C000, s8;
	s6 =	sshrl.u32 s4, $0x1  }
0xa: {  	s9 =	sxor.u32 $0x7F8, s9;
	s11 =	sor.u32 $0x1C01, s12;
	s6 =	ssub.s32 s4, s6  }
0xb: {  	s4 =	sadd.s32 s3, s5;
	s5 =	sshll.u32 s8, $0x3;
	s8 =	sshll.u32 s8, $0x16  }
0xc: {  	s12 =	simm.s32 $0x1;
	s6 =	smax.u32 s6, $0x1;
	s7 =	sadd.s32 s8, s7  }
0xd: {  	s8 =	sxor.u32 $0x3FC0, s10;
	s10 =	sshrl.u32 @!p0 s1, $0x3;
	s7 =	sadd.s32 s31, s7  }
.LBB2_1:
0xe: {  	s13 =	simm.s32 @!p0 $0x1C03  }
0xf: {  	[spmem:s10], [sflag:s13] =	dma.local @!p0 [hbm:s4], $0xF800  }
0x10: {  	s13 =	simm.s32 @!p0 $0x3  }
0x11: {  	_ =	swait.ge @!p0 [sflag:s13], $0xF800  }
0x12: {  	[sflag:s13] =	ssyncset.done @!p0 $0x0  }
0x13: {  	[sflag:s13] =	ssyncadd.s32 @!p0 $0xFFFF0800  }
0x14: {  	s14 =	simm.s32 $0x0;
	s13 =	smov.u32 s7;
	[bflag:$0x0] =	sbarrier.arrive $0xFFFF  }
.LBB2_2:
0x15: {  	p2 =	sne.s32 s14, $0x7  }
0x16: {  	p2 =	por !p1, !p2  }
0x17: {  	s15 =	sadd.s32 s5, s14;
	s16 =	sand.u32 $0x1, s14;
	p2 =	por !p2, !p2  }
0x18: {  	s15 =	smul.u32 @p2 $0x7C000, s15;
	s17 =	sxor.u32 @p2 $0x1, s16  }
0x19: {  	s17 =	smul.u32 @p2 $0x1F0000, s17;
	_ =	sdelay $0x1  }
0x1a: {  	s15 =	sshrl.u32 @p2 s15, $0x3;
	s17 =	sshrl.u32 @p2 s17, $0x2  }
0x1b: {  	s24 =	sshrl.u32 s9, $0x3;
	s15 =	sadd.s32 @p2 s3, s15;
	s17 =	sadd.s32 @p2 s17, s1  }
0x1c: {  	s18 =	simm.s32 @p2 $0x1C02;
	s15 =	sadd.s32 @p2 $0xF800, s15;
	s17 =	sshrl.u32 @p2 s17, $0x3  }
0x1d: {  	[spmem:s17], [sflag:s18] =	dma.local @p2 [hbm:s15], $0xF800  }
0x1e: {  	s29 =	sand.u32 $0x3C00, s8;
	s16 =	smul.u32 $0x1F0000, s16;
	s15 =	sand.u32 $0xF, s24  }
0x1f: {  	s30 =	sadd.s32 $0xFFFFFFF8, s9;
	p3 =	por $0x1, $0x1;
	s25 =	smul.u32 $0x1F000, s15  }
0x20: {  	s19 =	sadd.s32 $0xFFFFFFC0, s8;
	s31 =	sshrl.u32 s30, $0x3;
	s26 =	sshrl.u32 s16, $0x2  }
0x21: {  	s17 =	sand.u32 $0xF, s31;
	s15 =	sadd.s32 s26, s1;
	s28 =	sshrl.u32 s25, $0x2  }
0x22: {  	s21 =	simm.s32 @!p3 $0x1;
	s20 =	smul.u32 $0x1F000, s17;
	s16 =	sadd.s32 s28, s15  }
0x23: {  	s22 =	sand.u32 $0x3C00, s19;
	s18 =	sadd.s32 $0xFFFFFFF8, s30;
	s16 =	sadd.s32 s29, s16  }
0x24: {  	s17 =	sadd.s32 $0x800, s13;
	s20 =	sshrl.u32 s20, $0x2;
	s16 =	sshrl.u32 s16, $0x3  }
0x25: {  	[hbm:s13], [sflag:s11] =	dma.local [spmem:s16], $0x800  }
0x26: {  	s23 =	sadd.s32 s20, s15;
	s20 =	simm.s32 $0x2;
	_ =	swait.ge @!p3 [sflag:s21], $0x800  }
0x27: {  	s22 =	sadd.s32 s22, s23;
	s16 =	simm.s32 $0x1;
	[sflag:s21] =	ssyncset.done @!p3 $0x0  }
.LBB2_3:
0x28: {  	s23 =	sshrl.u32 s18, $0x3;
	s22 =	sshrl.u32 s22, $0x3;
	[sflag:s21] =	ssyncadd.s32 @!p3 $0xFFFFF800  }
0x29: {  	[hbm:s17], [sflag:s11] =	dma.local [spmem:s22], $0x800  }
0x2a: {  	s21 =	sand.u32 $0xF, s23  }
0x2b: {  	s22 =	smov.u32 s16;
	s16 =	smov.u32 s20;
	s20 =	sadd.s32 $0x1, s20  }
0x2c: {  	s21 =	smul.u32 $0x1F000, s21;
	p4 =	sne.s32 s20, $0x10  }
.Ltmp0:
0x2d: {  	s17 =	sadd.s32 $0x800, s17;
	(pc) =	sbr.rel @p4 .LBB2_3-.Ltmp0, $4  }
0x2e: {  	s18 =	sadd.s32 $0xFFFFFFF8, s18;
	s19 =	sadd.s32 $0xFFFFFFC0, s19;
	p3 =	slt.u32 s22, $0x8  }
0x2f: {  	s22 =	sand.u32 $0x3C00, s19;
	s23 =	sshrl.u32 s21, $0x2;
	s21 =	simm.s32 @!p3 $0x1  }
0x30: {  	s23 =	sadd.s32 s23, s15;
	_ =	swait.ge @!p3 [sflag:s21], $0x800  }
0x31: {  	s22 =	sadd.s32 s22, s23;
	[sflag:s21] =	ssyncset.done @!p3 $0x0  }
0x32: {  	s15 =	sshrl.u32 s22, $0x3;
	[sflag:s21] =	ssyncadd.s32 @!p3 $0xFFFFF800;
	p3 =	slt.u32 s16, $0x8  }
0x33: {  	[hbm:s17], [sflag:s11] =	dma.local [spmem:s15], $0x800  }
0x34: {  	s15 =	simm.s32 @!p3 $0x1  }
0x35: {  	_ =	swait.ge @!p3 [sflag:s15], $0x800  }
0x36: {  	[sflag:s15] =	ssyncset.done @!p3 $0x0  }
0x37: {  	[sflag:s15] =	ssyncadd.s32 @!p3 $0xFFFFF800  }
0x38: {  	_ =	swait.ge [sflag:s12], $0x800  }
0x39: {  	[sflag:s12] =	ssyncset.done $0x0  }
0x3a: {  	[sflag:s12] =	ssyncadd.s32 $0xFFFFF800  }
0x3b: {  	_ =	swait.ge [sflag:s12], $0x800  }
0x3c: {  	[sflag:s12] =	ssyncset.done $0x0  }
0x3d: {  	[sflag:s12] =	ssyncadd.s32 $0xFFFFF800  }
0x3e: {  	_ =	swait.ge [sflag:s12], $0x800  }
0x3f: {  	[sflag:s12] =	ssyncset.done $0x0  }
0x40: {  	[sflag:s12] =	ssyncadd.s32 $0xFFFFF800  }
0x41: {  	_ =	swait.ge [sflag:s12], $0x800  }
0x42: {  	[sflag:s12] =	ssyncset.done $0x0  }
0x43: {  	[sflag:s12] =	ssyncadd.s32 $0xFFFFF800  }
0x44: {  	_ =	swait.ge [sflag:s12], $0x800  }
0x45: {  	[sflag:s12] =	ssyncset.done $0x0  }
0x46: {  	[sflag:s12] =	ssyncadd.s32 $0xFFFFF800  }
0x47: {  	_ =	swait.ge [sflag:s12], $0x800  }
0x48: {  	[sflag:s12] =	ssyncset.done $0x0  }
0x49: {  	[sflag:s12] =	ssyncadd.s32 $0xFFFFF800  }
0x4a: {  	_ =	swait.ge [sflag:s12], $0x800  }
0x4b: {  	[sflag:s12] =	ssyncset.done $0x0  }
0x4c: {  	[sflag:s12] =	ssyncadd.s32 $0xFFFFF800  }
0x4d: {  	_ =	swait.ge [sflag:s12], $0x800  }
0x4e: {  	[sflag:s12] =	ssyncset.done $0x0  }
0x4f: {  	s15 =	simm.s32 @p2 $0x2;
	[sflag:s12] =	ssyncadd.s32 $0xFFFFF800  }
0x50: {  	_ =	swait.ge @p2 [sflag:s15], $0xF800  }
0x51: {  	s14 =	sadd.s32 $0x1, s14;
	[sflag:s15] =	ssyncset.done @p2 $0x0  }
0x52: {  	[sflag:s15] =	ssyncadd.s32 @p2 $0xFFFF0800;
	p2 =	sne.s32 s14, $0x8  }
.Ltmp1:
0x53: {  	_ = 	snop;
	(pc) =	sbr.rel @p2 .LBB2_2-.Ltmp1, $3  }
0x54: {  	_ =	sdelay $0x1  }
0x55: {  	[bflag:$0x0] =	sbarrier.arrive $0xFFFF  }
0x56: {  	s13 =	sadd.s32 $0x80000, s13  }
0x57: {  	s2 =	sadd.s32 $0x1, s2  }
0x58: {  	p2 =	sne.s32 s2, s6  }
.Ltmp2:
0x59: {  	_ = 	snop;
	(pc) =	sbr.rel @p2 .LBB2_1-.Ltmp2, $1  }
0x5a: {  	_ =	sdelay $0x3  }
0x5b: {  	_ =	sfence.sel $0x180000  }
0x5c: {  	[bflag:$0x0] =	sbarrier.arrive $0xFFFF  }
0x5d: {  	_ =	strace $0x90000047  }
0x5e: {  	s0 =	sadd.s32 @!p0 $0x100000, s0;
	[bflag:$0x2] =	sbarrier.arrive $0xFFFF  }
0x5f: {  	[sflag:s0] =	ssyncadd.tile.s32 @!p0 $0x1;
	_ =	shalt  }
.Lfunc_end2:
_tile_overlayer_lowered:
.L_overlay_start_2:
0x60: {  	(tag) =	ssettag $0x2  }
0x61: {  	s0 =	rddreg [dreg:$0x0];
	s2 =	stileid.u32  }
0x62: {  	s1 =	rddreg [dreg:$0x1];
	p0 =	sne.s32 s2, $0x0  }
0x63: {  	s3 =	rddreg [dreg:$0x2];
	[bflag:$0x3] =	sbarrier.arrive $0xFFFF;
	s2 =	simm.s32 @!p0 $0x1C03  }
0x64: {  	[timem:s3], [sflag:s2] =	dma.local @!p0 [hbm:s0], s1  }
0x65: {  	s0 =	simm.s32 @!p0 $0x3  }
0x66: {  	_ =	swait.ge @!p0 [sflag:s0], s1  }
0x67: {  	s1 =	ssub.s32 @!p0 $0x0, s1;
	[sflag:s0] =	ssyncset.done @!p0 $0x0  }
0x68: {  	[sflag:s0] =	ssyncadd.s32 @!p0 s1  }
0x69: {  	[bflag:$0x3] =	sbarrier.arrive $0xFFFF  }
0x6a: {  	_ =	shalt  }

</sc_bundles>
